<compile_context>
chip_gen: v7x
topology: tpu7x:2x2x1
jax: 0.10.2.dev20260603
libtpu: 0.0.44.dev20260713+nightly
codegen_flags: <defaults>
</compile_context>

<pallas_src>
import functools

import jax
import jax.numpy as jnp
from jax import lax
from jax.experimental import pallas as pl
from jax.experimental.pallas import tpu as pltpu
from jax.experimental.pallas import tpu_sc as plsc

NUM_NODES = 10000
MEMORY_DIM = 64
MSG_DIM = 64
NODE_DIM = 256
EDGE_DIM = 16
TIME_DIM = 16
STATIC_DIM = 64
DYNAMIC_DIM = 64
EMB_DIM = 32
B = 2048
E = 2 * B

NC, NS = 2, 16
NW = NC * NS
BPW = B // NW

TB_A = 512
TB_B = 1024


def _sc_gather_body(mem_hbm, emb_hbm, src_hbm, dst_hbm,
                    out_sm, out_dm, out_se, out_de,
                    idx_s, idx_d, rows_m, rows_m2, rows_e, rows_e2,
                    sem, sem2):
    wid = lax.axis_index("s") * NC + lax.axis_index("c")
    base = wid * BPW
    pltpu.sync_copy(src_hbm.at[pl.ds(base, BPW)], idx_s)
    pltpu.sync_copy(dst_hbm.at[pl.ds(base, BPW)], idx_d)
    c1 = pltpu.async_copy(mem_hbm.at[idx_s], rows_m, sem)
    c2 = pltpu.async_copy(mem_hbm.at[idx_d], rows_m2, sem)
    c3 = pltpu.async_copy(emb_hbm.at[idx_s], rows_e, sem)
    c4 = pltpu.async_copy(emb_hbm.at[idx_d], rows_e2, sem)
    c1.wait()
    o1 = pltpu.async_copy(rows_m, out_sm.at[pl.ds(base, BPW)], sem2)
    c2.wait()
    o2 = pltpu.async_copy(rows_m2, out_dm.at[pl.ds(base, BPW)], sem2)
    c3.wait()
    o3 = pltpu.async_copy(rows_e, out_se.at[pl.ds(base, BPW)], sem2)
    c4.wait()
    o4 = pltpu.async_copy(rows_e2, out_de.at[pl.ds(base, BPW)], sem2)
    o1.wait()
    o2.wait()
    o3.wait()
    o4.wait()


def _sc_gather(memory, emb_table, src, dst):
    mesh = plsc.VectorSubcoreMesh(core_axis_name="c", subcore_axis_name="s")
    f32 = jnp.float32
    call = pl.kernel(
        _sc_gather_body,
        mesh=mesh,
        compiler_params=pltpu.CompilerParams(use_tc_tiling_on_sc=False),
        out_type=(
            jax.ShapeDtypeStruct((B, MEMORY_DIM), f32),
            jax.ShapeDtypeStruct((B, MEMORY_DIM), f32),
            jax.ShapeDtypeStruct((B, EMB_DIM), f32),
            jax.ShapeDtypeStruct((B, EMB_DIM), f32),
        ),
        scratch_types=[
            pltpu.VMEM((BPW,), jnp.int32),
            pltpu.VMEM((BPW,), jnp.int32),
            pltpu.VMEM((BPW, MEMORY_DIM), f32),
            pltpu.VMEM((BPW, MEMORY_DIM), f32),
            pltpu.VMEM((BPW, EMB_DIM), f32),
            pltpu.VMEM((BPW, EMB_DIM), f32),
            pltpu.SemaphoreType.DMA,
            pltpu.SemaphoreType.DMA,
        ],
    )
    return call(memory, emb_table, src, dst)


N_A = B // TB_A
N_B = B // TB_B


def _sigmoid(x):
    return 1.0 / (1.0 + jnp.exp(-x))


def _fused_body(t_ref, ea_a, sm_a, dm_a,
                sc_ref, dc_ref, sm_b, dm_b, ss_ref, ds_ref, sy_ref, dy_ref,
                se_ref, de_ref, ea_b, sr_ref, dr_ref, tr_ref,
                wt_ref, bt_ref, w1_ref, b1_ref, tf_ref, b0_ref,
                gwi_ref, gwh_ref, gbi_ref, gbh_ref,
                mw1_ref, mb1_ref, mw2_ref, mb2_ref, pw_ref, pb_ref,
                out_ref, msg_scr):
    i = pl.program_id(0)

    @pl.when(i < N_A)
    def _msg_phase():
        tf = t_ref[...]
        te = jnp.cos(tf * wt_ref[...] + bt_ref[...])
        raw = jnp.concatenate([ea_a[...], te], axis=1)
        h = jnp.maximum(
            jnp.dot(raw, w1_ref[...], preferred_element_type=jnp.float32)
            + b1_ref[...], 0.0)
        sm = sm_a[...]
        dm = dm_a[...]
        x2 = jnp.concatenate(
            [jnp.concatenate([sm, dm], axis=1),
             jnp.concatenate([dm, sm], axis=1)], axis=0)
        h2b = jnp.concatenate([h, h], axis=0).astype(jnp.bfloat16)
        x2b = x2.astype(jnp.bfloat16)
        outer = jnp.concatenate(
            [h2b[:, c:c + 1] * x2b for c in range(64)],
            axis=1)
        acc = (jnp.dot(outer, tf_ref[...], preferred_element_type=jnp.float32)
               + jnp.dot(x2, b0_ref[...], preferred_element_type=jnp.float32))
        base = i * TB_A
        msg_scr[0, pl.ds(base, TB_A), :] = acc[:TB_A].astype(jnp.bfloat16)
        msg_scr[1, pl.ds(base, TB_A), :] = acc[TB_A:].astype(jnp.bfloat16)

    @pl.when(i >= N_A)
    def _tail_phase():
        irow = lax.broadcasted_iota(jnp.int32, (1, B), 1)
        key_s = tr_ref[...] * E + irow
        key_d = key_s + B
        src_row = sr_ref[...]
        dst_row = dr_ref[...]
        msg_s = msg_scr[0]
        msg_d = msg_scr[1]

        def agg_for(idx_col):
            m1 = jnp.where(src_row == idx_col, key_s, -1)
            m2 = jnp.where(dst_row == idx_col, key_d, -1)
            wk = jnp.maximum(jnp.max(m1, axis=1, keepdims=True),
                             jnp.max(m2, axis=1, keepdims=True))
            oh_s = (key_s == wk).astype(jnp.bfloat16)
            oh_d = (key_d == wk).astype(jnp.bfloat16)
            return (jnp.dot(oh_s, msg_s, preferred_element_type=jnp.float32)
                    + jnp.dot(oh_d, msg_d,
                              preferred_element_type=jnp.float32))

        def gru(agg, mem):
            gi = jnp.dot(agg, gwi_ref[...],
                         preferred_element_type=jnp.float32) + gbi_ref[...]
            gh = jnp.dot(mem, gwh_ref[...],
                         preferred_element_type=jnp.float32) + gbh_ref[...]
            r = _sigmoid(gi[:, :64] + gh[:, :64])
            z = _sigmoid(gi[:, 64:128] + gh[:, 64:128])
            n = jnp.tanh(gi[:, 128:] + r * gh[:, 128:])
            return (1.0 - z) * n + z * mem

        def mlp(xfull):
            h1 = jnp.maximum(
                jnp.dot(xfull.astype(jnp.bfloat16), mw1_ref[...],
                        preferred_element_type=jnp.float32) + mb1_ref[...],
                0.0)
            return (jnp.dot(h1.astype(jnp.bfloat16), mw2_ref[...],
                            preferred_element_type=jnp.float32) + mb2_ref[...])

        agg_s = agg_for(sc_ref[...])
        agg_d = agg_for(dc_ref[...])
        mem_s = gru(agg_s, sm_b[...])
        mem_d = gru(agg_d, dm_b[...])
        s_full = jnp.concatenate(
            [mem_s, ss_ref[...], se_ref[...], sy_ref[...]], axis=1)
        d_full = jnp.concatenate(
            [mem_d, ds_ref[...], de_ref[...], dy_ref[...]], axis=1)
        cat = jnp.concatenate([mlp(s_full), mlp(d_full), ea_b[...]], axis=1)
        out_ref[...] = (jnp.dot(cat, pw_ref[...],
                                preferred_element_type=jnp.float32)
                        + pb_ref[...])


def _fused(t2d, edge_attr, src_m, dst_m,
           src_col, dst_col, src_static, dst_static, src_dyn, dst_dyn,
           src_e, dst_e, src_row, dst_row, t_row,
           wt, bt, en_w1, en_b1, tflat, b0,
           gru_wi, gru_wh, gru_bi, gru_bh,
           mlp_w1, mlp_b1, mlp_w2, mlp_b2, pred_w, pred_b):
    grid = (N_A + N_B,)

    def tile_a(d):
        return pl.BlockSpec((TB_A, d),
                            lambda i: (jnp.where(i < N_A, i, 0), 0))

    def tile_b(d):
        return pl.BlockSpec((TB_B, d),
                            lambda i: (jnp.where(i < N_A, 0, i - N_A), 0))

    full = lambda r, c: pl.BlockSpec((r, c), lambda i: (0, 0))
    in_dim = MEMORY_DIM + STATIC_DIM + EMB_DIM + DYNAMIC_DIM
    return pl.pallas_call(
        _fused_body,
        grid=grid,
        in_specs=[
            tile_a(1), tile_a(EDGE_DIM), tile_a(MEMORY_DIM),
            tile_a(MEMORY_DIM),
            tile_b(1), tile_b(1), tile_b(MEMORY_DIM), tile_b(MEMORY_DIM),
            tile_b(STATIC_DIM), tile_b(STATIC_DIM),
            tile_b(DYNAMIC_DIM), tile_b(DYNAMIC_DIM),
            tile_b(EMB_DIM), tile_b(EMB_DIM), tile_b(EDGE_DIM),
            full(1, B), full(1, B), full(1, B),
            full(1, TIME_DIM), full(1, TIME_DIM),
            full(2 * TIME_DIM, 64), full(1, 64),
            full(64 * 128, MSG_DIM), full(2 * MEMORY_DIM, MSG_DIM),
            full(MSG_DIM, 3 * MEMORY_DIM), full(MEMORY_DIM, 3 * MEMORY_DIM),
            full(1, 3 * MEMORY_DIM), full(1, 3 * MEMORY_DIM),
            full(in_dim, NODE_DIM), full(1, NODE_DIM),
            full(NODE_DIM, NODE_DIM), full(1, NODE_DIM),
            full(2 * NODE_DIM + EDGE_DIM, 1), full(1, 1),
        ],
        out_specs=pl.BlockSpec((TB_B, 1),
                               lambda i: (jnp.where(i < N_A, 0, i - N_A), 0)),
        out_shape=jax.ShapeDtypeStruct((B, 1), jnp.float32),
        scratch_shapes=[pltpu.VMEM((2, B, MSG_DIM), jnp.bfloat16)],
    )(t2d, edge_attr, src_m, dst_m,
      src_col, dst_col, src_m, dst_m, src_static, dst_static,
      src_dyn, dst_dyn, src_e, dst_e, edge_attr,
      src_row, dst_row, t_row,
      wt, bt, en_w1, en_b1, tflat, b0,
      gru_wi, gru_wh, gru_bi, gru_bh,
      mlp_w1, mlp_b1, mlp_w2, mlp_b2, pred_w, pred_b)


def kernel(src, dst, t, edge_attr, src_static, dst_static, src_dynamic,
           dst_dynamic, memory, last_update, w_time, b_time, en_w1, en_b1,
           en_w2, en_b2, gru_wi, gru_wh, gru_bi, gru_bh, emb_table,
           mlp_w1, mlp_b1, mlp_w2, mlp_b2, pred_w, pred_b):
    src = src.astype(jnp.int32)
    dst = dst.astype(jnp.int32)
    t = t.astype(jnp.int32)

    tflat = en_w2.astype(jnp.bfloat16).reshape(64 * 128, MSG_DIM)
    b0 = en_b2.reshape(2 * MEMORY_DIM, MSG_DIM)

    src_m, dst_m, src_e, dst_e = _sc_gather(memory, emb_table, src, dst)

    pred = _fused(t.astype(jnp.float32).reshape(B, 1), edge_attr,
                  src_m, dst_m,
                  src.reshape(B, 1), dst.reshape(B, 1),
                  src_static, dst_static, src_dynamic, dst_dynamic,
                  src_e, dst_e,
                  src.reshape(1, B), dst.reshape(1, B), t.reshape(1, B),
                  w_time, b_time.reshape(1, TIME_DIM),
                  en_w1, en_b1.reshape(1, 64), tflat, b0,
                  gru_wi, gru_wh, gru_bi.reshape(1, 3 * MEMORY_DIM),
                  gru_bh.reshape(1, 3 * MEMORY_DIM),
                  mlp_w1.astype(jnp.bfloat16), mlp_b1.reshape(1, NODE_DIM),
                  mlp_w2.astype(jnp.bfloat16), mlp_b2.reshape(1, NODE_DIM),
                  pred_w, pred_b.reshape(1, 1))
    return pred

# --- scband reference (transcript-rebuilt; emitter-appended) ---
"""Pipeline reference for scband-tennis-tgn-17343077941948 (READ-ONLY COPY).

The authoritative reference and input builder live on the scoring server;
editing this copy changes nothing except your own understanding.
"""

import jax, jax.numpy as jnp
import numpy as np

NUM_NODES = 10000
MEMORY_DIM = 64
MSG_DIM = 64
NODE_DIM = 256
EDGE_DIM = 16
TIME_DIM = 16
STATIC_DIM = 64
DYNAMIC_DIM = 64
EMB_DIM = 32
OUT_DIM = 1
B = 2048
RAW_MSG_DIM = EDGE_DIM + TIME_DIM


def setup_inputs(seed: int = 0):
    key = jax.random.key(seed)
    ks = jax.random.split(key, 32)
    def g(i, shape, scale=1.0):
        return jax.random.normal(ks[i], shape, dtype=jnp.float32) * scale
    inp = {}
    inp["src"] = jax.random.randint(ks[0], (B,), 0, NUM_NODES)
    inp["dst"] = jax.random.randint(ks[1], (B,), 0, NUM_NODES)
    inp["t"] = jnp.sort(jax.random.randint(ks[2], (B,), 0, 100000))
    inp["edge_attr"] = g(3, (B, EDGE_DIM))
    inp["src_static"] = g(4, (B, STATIC_DIM))
    inp["dst_static"] = g(5, (B, STATIC_DIM))
    inp["src_dynamic"] = g(6, (B, DYNAMIC_DIM))
    inp["dst_dynamic"] = g(7, (B, DYNAMIC_DIM))
    # module state
    inp["memory"] = g(8, (NUM_NODES, MEMORY_DIM), 0.1)
    inp["last_update"] = jnp.zeros((NUM_NODES,), dtype=jnp.int32)
    # TimeEncoder params (cos(Linear(t)))
    inp["w_time"] = g(9, (1, TIME_DIM), 0.001)
    inp["b_time"] = g(10, (TIME_DIM,), 0.1)
    # ECCMessage edge_network: Linear(RAW_MSG_DIM,64) -> ReLU -> Linear(64, 2*MEM*MSG)
    inp["en_w1"] = g(11, (RAW_MSG_DIM, 64), 0.1)
    inp["en_b1"] = g(12, (64,), 0.01)
    inp["en_w2"] = g(13, (64, 2 * MEMORY_DIM * MSG_DIM), 0.02)
    inp["en_b2"] = g(14, (2 * MEMORY_DIM * MSG_DIM,), 0.01)
    # GRUCell of TGNMemory
    inp["gru_wi"] = g(15, (MSG_DIM, 3 * MEMORY_DIM), 0.1)
    inp["gru_wh"] = g(16, (MEMORY_DIM, 3 * MEMORY_DIM), 0.1)
    inp["gru_bi"] = g(17, (3 * MEMORY_DIM,), 0.01)
    inp["gru_bh"] = g(18, (3 * MEMORY_DIM,), 0.01)
    # learned node embedding
    inp["emb_table"] = g(19, (NUM_NODES, EMB_DIM), 0.1)
    # node_mlp
    inp["mlp_w1"] = g(20, (MEMORY_DIM + STATIC_DIM + EMB_DIM + DYNAMIC_DIM, NODE_DIM), 0.05)
    inp["mlp_b1"] = g(21, (NODE_DIM,), 0.01)
    inp["mlp_w2"] = g(22, (NODE_DIM, NODE_DIM), 0.05)
    inp["mlp_b2"] = g(23, (NODE_DIM,), 0.01)
    # predictor
    inp["pred_w"] = g(24, (2 * NODE_DIM + EDGE_DIM, OUT_DIM), 0.05)
    inp["pred_b"] = g(25, (OUT_DIM,), 0.01)
    return inp


def reference(src, dst, t, edge_attr, src_static, dst_static, src_dynamic, dst_dynamic,
              memory, last_update, w_time, b_time, en_w1, en_b1, en_w2, en_b2,
              gru_wi, gru_wh, gru_bi, gru_bh, emb_table,
              mlp_w1, mlp_b1, mlp_w2, mlp_b2, pred_w, pred_b):
    t = t.astype(jnp.int32)
    tf = t.astype(jnp.float32)[:, None]
    time_enc = jnp.cos(tf @ w_time + b_time)
    raw_msg = jnp.concatenate([edge_attr, time_enc], axis=-1)
    # --- ECCMessage: per-edge weight generation ---
    h = jax.nn.relu(raw_msg @ en_w1 + en_b1)
    W = (h @ en_w2 + en_b2).reshape(-1, 2 * MEMORY_DIM, MSG_DIM)
    src_m = memory[src]
    dst_m = memory[dst]
    x_s = jnp.concatenate([src_m, dst_m], axis=-1)[:, None, :]
    msg_s = jnp.squeeze(jnp.matmul(x_s, W), axis=1)  # messages delivered to src nodes
    x_d = jnp.concatenate([dst_m, src_m], axis=-1)[:, None, :]
    msg_d = jnp.squeeze(jnp.matmul(x_d, W), axis=1)  # messages delivered to dst nodes
    # --- LastAggregator: per node keep message with latest (t, position) ---
    idx = jnp.concatenate([src, dst]).astype(jnp.int32)
    msgs = jnp.concatenate([msg_s, msg_d], axis=0)
    t_all = jnp.concatenate([t, t])
    n_tot = idx.shape[0]
    pos = jnp.arange(n_tot, dtype=jnp.int32)
    key_ = t_all * n_tot + pos
    max_key = jax.ops.segment_max(key_, idx, num_segments=NUM_NODES)
    winner = (key_ == max_key[idx]).astype(jnp.float32)
    agg = jnp.zeros((NUM_NODES, MSG_DIM), dtype=jnp.float32).at[idx].add(msgs * winner[:, None])
    has_msg = jnp.zeros((NUM_NODES,), dtype=jnp.float32).at[idx].add(winner) > 0
    # --- GRU memory update ---
    gi = agg @ gru_wi + gru_bi
    gh = memory @ gru_wh + gru_bh
    ir, iz, inn = jnp.split(gi, 3, axis=-1)
    hr, hz, hn = jnp.split(gh, 3, axis=-1)
    r = jax.nn.sigmoid(ir + hr)
    z = jax.nn.sigmoid(iz + hz)
    n = jnp.tanh(inn + r * hn)
    upd = (1.0 - z) * n + z * memory
    memory_new = jnp.where(has_msg[:, None], upd, memory)
    # --- readout (memory detached, as in the torch module) ---
    src_mem = jax.lax.stop_gradient(memory_new[src])
    dst_mem = jax.lax.stop_gradient(memory_new[dst])
    src_learned = emb_table[src]
    dst_learned = emb_table[dst]
    src_full = jnp.concatenate([src_mem, src_static, src_learned, src_dynamic], axis=-1)
    dst_full = jnp.concatenate([dst_mem, dst_static, dst_learned, dst_dynamic], axis=-1)
    def mlp(x):
        return jax.nn.relu(x @ mlp_w1 + mlp_b1) @ mlp_w2 + mlp_b2
    src_embed = mlp(src_full)
    dst_embed = mlp(dst_full)
    pred = jnp.concatenate([src_embed, dst_embed, edge_attr], axis=-1) @ pred_w + pred_b
    return pred


if False:  # reference __main__ guard neutralized (emitter)
    out = reference(**setup_inputs())
    print(out.shape)

if __name__ == "__main__":
    import jax
    _d = setup_inputs()
    print(jax.jit(kernel)(*tuple(_d.values())))

</pallas_src>

<mosaic_0001>
#map = affine_map<(d0, d1) -> (0, 0)>
#map1 = affine_map<(d0, d1) -> (0)>
module attributes {stable_mosaic.version = 14 : i64} {
  func.func @_sc_gather_body(%arg0: i32, %arg1: i32, %arg2: memref<10000x64xf32, #tpu.memory_space<hbm>>, %arg3: memref<10000x32xf32, #tpu.memory_space<hbm>>, %arg4: memref<2048xi32, #tpu.memory_space<hbm>>, %arg5: memref<2048xi32, #tpu.memory_space<hbm>>, %arg6: memref<2048x64xf32, #tpu.memory_space<hbm>>, %arg7: memref<2048x64xf32, #tpu.memory_space<hbm>>, %arg8: memref<2048x32xf32, #tpu.memory_space<hbm>>, %arg9: memref<2048x32xf32, #tpu.memory_space<hbm>>, %arg10: memref<64xi32, #tpu.memory_space<vmem>>, %arg11: memref<64xi32, #tpu.memory_space<vmem>>, %arg12: memref<64x64xf32, #tpu.memory_space<vmem>>, %arg13: memref<64x64xf32, #tpu.memory_space<vmem>>, %arg14: memref<64x32xf32, #tpu.memory_space<vmem>>, %arg15: memref<64x32xf32, #tpu.memory_space<vmem>>, %arg16: memref<!tpu.dma_semaphore, #tpu.memory_space<semaphore_mem>>, %arg17: memref<!tpu.dma_semaphore, #tpu.memory_space<semaphore_mem>>) attributes {dimension_semantics = [#tpu.dimension_semantics<core_parallel>, #tpu.dimension_semantics<subcore_parallel>], iteration_bounds = array<i64: 2, 16>, scalar_prefetch = 0 : i64, scratch_operands = 8 : i64, tpu.core_type = #tpu.core_type<sc_vector_subcore>, window_params = [{transform_indices = #map}, {transform_indices = #map}, {transform_indices = #map1}, {transform_indices = #map1}, {transform_indices = #map}, {transform_indices = #map}, {transform_indices = #map}, {transform_indices = #map}]} {
    %mul3A = arith.constant 2 : i32
    %mul3A_0 = arith.muli %arg1, %mul3A : i32
    %add3A = arith.addi %mul3A_0, %arg0 : i32
    %mul3A_1 = arith.constant 64 : i32
    %mul3A_2 = arith.muli %add3A, %mul3A_1 : i32
    "tpu.region"() ({
      %run_scoped3A = tpu.sem_alloc : memref<!tpu.dma_semaphore, #tpu.memory_space<semaphore_mem>>
      %dma_start3A_57 = tpu.memref_slice %arg4[%mul3A_2] : memref<2048xi32, #tpu.memory_space<hbm>> -> memref<64xi32, #tpu.memory_space<hbm>>
      %dma_start3A_58 = tpu.memref_slice %arg4[%mul3A_2] : memref<2048xi32, #tpu.memory_space<hbm>> -> memref<64xi32, #tpu.memory_space<hbm>>
      tpu.enqueue_dma source(%dma_start3A_58 : memref<64xi32, #tpu.memory_space<hbm>>) target(%arg10 : memref<64xi32, #tpu.memory_space<vmem>>) target_semaphore(%run_scoped3A : memref<!tpu.dma_semaphore, #tpu.memory_space<semaphore_mem>>)
      %dma_wait3A_59 = tpu.memref_slice %arg4[%mul3A_2] : memref<2048xi32, #tpu.memory_space<hbm>> -> memref<64xi32, #tpu.memory_space<hbm>>
      %dma_wait3A_60 = tpu.memref_slice %arg4[%mul3A_2] : memref<2048xi32, #tpu.memory_space<hbm>> -> memref<64xi32, #tpu.memory_space<hbm>>
      tpu.wait_dma2 semaphore(%run_scoped3A : memref<!tpu.dma_semaphore, #tpu.memory_space<semaphore_mem>>) src(%dma_wait3A_60 : memref<64xi32, #tpu.memory_space<hbm>>) dst(%arg10 : memref<64xi32, #tpu.memory_space<vmem>>)
      tpu.yield
    }) : () -> ()
    "tpu.region"() ({
      %run_scoped3A = tpu.sem_alloc : memref<!tpu.dma_semaphore, #tpu.memory_space<semaphore_mem>>
      %dma_start3A_57 = tpu.memref_slice %arg5[%mul3A_2] : memref<2048xi32, #tpu.memory_space<hbm>> -> memref<64xi32, #tpu.memory_space<hbm>>
      %dma_start3A_58 = tpu.memref_slice %arg5[%mul3A_2] : memref<2048xi32, #tpu.memory_space<hbm>> -> memref<64xi32, #tpu.memory_space<hbm>>
      tpu.enqueue_dma source(%dma_start3A_58 : memref<64xi32, #tpu.memory_space<hbm>>) target(%arg11 : memref<64xi32, #tpu.memory_space<vmem>>) target_semaphore(%run_scoped3A : memref<!tpu.dma_semaphore, #tpu.memory_space<semaphore_mem>>)
      %dma_wait3A_59 = tpu.memref_slice %arg5[%mul3A_2] : memref<2048xi32, #tpu.memory_space<hbm>> -> memref<64xi32, #tpu.memory_space<hbm>>
      %dma_wait3A_60 = tpu.memref_slice %arg5[%mul3A_2] : memref<2048xi32, #tpu.memory_space<hbm>> -> memref<64xi32, #tpu.memory_space<hbm>>
      tpu.wait_dma2 semaphore(%run_scoped3A : memref<!tpu.dma_semaphore, #tpu.memory_space<semaphore_mem>>) src(%dma_wait3A_60 : memref<64xi32, #tpu.memory_space<hbm>>) dst(%arg11 : memref<64xi32, #tpu.memory_space<vmem>>)
      tpu.yield
    }) : () -> ()
    %dma_start3A = arith.constant 0 : i32
    %dma_start3A_3 = arith.constant 0 : i32
    %dma_start3A_4 = tpu.memref_slice %arg2[%dma_start3A, %dma_start3A_3] : memref<10000x64xf32, #tpu.memory_space<hbm>> -> memref<10000x64xf32, #tpu.memory_space<hbm>>
    tpu.enqueue_indirect_dma source(%dma_start3A_4 : memref<10000x64xf32, #tpu.memory_space<hbm>>) target(%arg12 : memref<64x64xf32, #tpu.memory_space<vmem>>) offsets(%arg10 : memref<64xi32, #tpu.memory_space<vmem>>) semaphore(%arg16 : memref<!tpu.dma_semaphore, #tpu.memory_space<semaphore_mem>>)
    %dma_start3A_5 = arith.constant 0 : i32
    %dma_start3A_6 = arith.constant 0 : i32
    %dma_start3A_7 = tpu.memref_slice %arg2[%dma_start3A_5, %dma_start3A_6] : memref<10000x64xf32, #tpu.memory_space<hbm>> -> memref<10000x64xf32, #tpu.memory_space<hbm>>
    tpu.enqueue_indirect_dma source(%dma_start3A_7 : memref<10000x64xf32, #tpu.memory_space<hbm>>) target(%arg13 : memref<64x64xf32, #tpu.memory_space<vmem>>) offsets(%arg11 : memref<64xi32, #tpu.memory_space<vmem>>) semaphore(%arg16 : memref<!tpu.dma_semaphore, #tpu.memory_space<semaphore_mem>>)
    %dma_start3A_8 = arith.constant 0 : i32
    %dma_start3A_9 = arith.constant 0 : i32
    %dma_start3A_10 = tpu.memref_slice %arg3[%dma_start3A_8, %dma_start3A_9] : memref<10000x32xf32, #tpu.memory_space<hbm>> -> memref<10000x32xf32, #tpu.memory_space<hbm>>
    tpu.enqueue_indirect_dma source(%dma_start3A_10 : memref<10000x32xf32, #tpu.memory_space<hbm>>) target(%arg14 : memref<64x32xf32, #tpu.memory_space<vmem>>) offsets(%arg10 : memref<64xi32, #tpu.memory_space<vmem>>) semaphore(%arg16 : memref<!tpu.dma_semaphore, #tpu.memory_space<semaphore_mem>>)
    %dma_start3A_11 = arith.constant 0 : i32
    %dma_start3A_12 = arith.constant 0 : i32
    %dma_start3A_13 = tpu.memref_slice %arg3[%dma_start3A_11, %dma_start3A_12] : memref<10000x32xf32, #tpu.memory_space<hbm>> -> memref<10000x32xf32, #tpu.memory_space<hbm>>
    tpu.enqueue_indirect_dma source(%dma_start3A_13 : memref<10000x32xf32, #tpu.memory_space<hbm>>) target(%arg15 : memref<64x32xf32, #tpu.memory_space<vmem>>) offsets(%arg11 : memref<64xi32, #tpu.memory_space<vmem>>) semaphore(%arg16 : memref<!tpu.dma_semaphore, #tpu.memory_space<semaphore_mem>>)
    %dma_wait3A = arith.constant 0 : i32
    %dma_wait3A_14 = arith.constant 0 : i32
    %dma_wait3A_15 = tpu.memref_slice %arg2[%dma_wait3A, %dma_wait3A_14] : memref<10000x64xf32, #tpu.memory_space<hbm>> -> memref<10000x64xf32, #tpu.memory_space<hbm>>
    tpu.wait_indirect_dma semaphore(%arg16 : memref<!tpu.dma_semaphore, #tpu.memory_space<semaphore_mem>>) src(%dma_wait3A_15 : memref<10000x64xf32, #tpu.memory_space<hbm>>) dst(%arg12 : memref<64x64xf32, #tpu.memory_space<vmem>>)
    %dma_start3A_16 = arith.constant 0 : i32
    %dma_start3A_17 = tpu.memref_slice %arg6[%mul3A_2, %dma_start3A_16] : memref<2048x64xf32, #tpu.memory_space<hbm>> -> memref<64x64xf32, #tpu.memory_space<hbm>>
    %dma_start3A_18 = arith.constant 0 : i32
    %dma_start3A_19 = tpu.memref_slice %arg6[%mul3A_2, %dma_start3A_18] : memref<2048x64xf32, #tpu.memory_space<hbm>> -> memref<64x64xf32, #tpu.memory_space<hbm>>
    tpu.enqueue_dma source(%arg12 : memref<64x64xf32, #tpu.memory_space<vmem>>) target(%dma_start3A_19 : memref<64x64xf32, #tpu.memory_space<hbm>>) target_semaphore(%arg17 : memref<!tpu.dma_semaphore, #tpu.memory_space<semaphore_mem>>)
    %dma_wait3A_20 = arith.constant 0 : i32
    %dma_wait3A_21 = arith.constant 0 : i32
    %dma_wait3A_22 = tpu.memref_slice %arg2[%dma_wait3A_20, %dma_wait3A_21] : memref<10000x64xf32, #tpu.memory_space<hbm>> -> memref<10000x64xf32, #tpu.memory_space<hbm>>
    tpu.wait_indirect_dma semaphore(%arg16 : memref<!tpu.dma_semaphore, #tpu.memory_space<semaphore_mem>>) src(%dma_wait3A_22 : memref<10000x64xf32, #tpu.memory_space<hbm>>) dst(%arg13 : memref<64x64xf32, #tpu.memory_space<vmem>>)
    %dma_start3A_23 = arith.constant 0 : i32
    %dma_start3A_24 = tpu.memref_slice %arg7[%mul3A_2, %dma_start3A_23] : memref<2048x64xf32, #tpu.memory_space<hbm>> -> memref<64x64xf32, #tpu.memory_space<hbm>>
    %dma_start3A_25 = arith.constant 0 : i32
    %dma_start3A_26 = tpu.memref_slice %arg7[%mul3A_2, %dma_start3A_25] : memref<2048x64xf32, #tpu.memory_space<hbm>> -> memref<64x64xf32, #tpu.memory_space<hbm>>
    tpu.enqueue_dma source(%arg13 : memref<64x64xf32, #tpu.memory_space<vmem>>) target(%dma_start3A_26 : memref<64x64xf32, #tpu.memory_space<hbm>>) target_semaphore(%arg17 : memref<!tpu.dma_semaphore, #tpu.memory_space<semaphore_mem>>)
    %dma_wait3A_27 = arith.constant 0 : i32
    %dma_wait3A_28 = arith.constant 0 : i32
    %dma_wait3A_29 = tpu.memref_slice %arg3[%dma_wait3A_27, %dma_wait3A_28] : memref<10000x32xf32, #tpu.memory_space<hbm>> -> memref<10000x32xf32, #tpu.memory_space<hbm>>
    tpu.wait_indirect_dma semaphore(%arg16 : memref<!tpu.dma_semaphore, #tpu.memory_space<semaphore_mem>>) src(%dma_wait3A_29 : memref<10000x32xf32, #tpu.memory_space<hbm>>) dst(%arg14 : memref<64x32xf32, #tpu.memory_space<vmem>>)
    %dma_start3A_30 = arith.constant 0 : i32
    %dma_start3A_31 = tpu.memref_slice %arg8[%mul3A_2, %dma_start3A_30] : memref<2048x32xf32, #tpu.memory_space<hbm>> -> memref<64x32xf32, #tpu.memory_space<hbm>>
    %dma_start3A_32 = arith.constant 0 : i32
    %dma_start3A_33 = tpu.memref_slice %arg8[%mul3A_2, %dma_start3A_32] : memref<2048x32xf32, #tpu.memory_space<hbm>> -> memref<64x32xf32, #tpu.memory_space<hbm>>
    tpu.enqueue_dma source(%arg14 : memref<64x32xf32, #tpu.memory_space<vmem>>) target(%dma_start3A_33 : memref<64x32xf32, #tpu.memory_space<hbm>>) target_semaphore(%arg17 : memref<!tpu.dma_semaphore, #tpu.memory_space<semaphore_mem>>)
    %dma_wait3A_34 = arith.constant 0 : i32
    %dma_wait3A_35 = arith.constant 0 : i32
    %dma_wait3A_36 = tpu.memref_slice %arg3[%dma_wait3A_34, %dma_wait3A_35] : memref<10000x32xf32, #tpu.memory_space<hbm>> -> memref<10000x32xf32, #tpu.memory_space<hbm>>
    tpu.wait_indirect_dma semaphore(%arg16 : memref<!tpu.dma_semaphore, #tpu.memory_space<semaphore_mem>>) src(%dma_wait3A_36 : memref<10000x32xf32, #tpu.memory_space<hbm>>) dst(%arg15 : memref<64x32xf32, #tpu.memory_space<vmem>>)
    %dma_start3A_37 = arith.constant 0 : i32
    %dma_start3A_38 = tpu.memref_slice %arg9[%mul3A_2, %dma_start3A_37] : memref<2048x32xf32, #tpu.memory_space<hbm>> -> memref<64x32xf32, #tpu.memory_space<hbm>>
    %dma_start3A_39 = arith.constant 0 : i32
    %dma_start3A_40 = tpu.memref_slice %arg9[%mul3A_2, %dma_start3A_39] : memref<2048x32xf32, #tpu.memory_space<hbm>> -> memref<64x32xf32, #tpu.memory_space<hbm>>
    tpu.enqueue_dma source(%arg15 : memref<64x32xf32, #tpu.memory_space<vmem>>) target(%dma_start3A_40 : memref<64x32xf32, #tpu.memory_space<hbm>>) target_semaphore(%arg17 : memref<!tpu.dma_semaphore, #tpu.memory_space<semaphore_mem>>)
    %dma_wait3A_41 = arith.constant 0 : i32
    %dma_wait3A_42 = tpu.memref_slice %arg6[%mul3A_2, %dma_wait3A_41] : memref<2048x64xf32, #tpu.memory_space<hbm>> -> memref<64x64xf32, #tpu.memory_space<hbm>>
    %dma_wait3A_43 = arith.constant 0 : i32
    %dma_wait3A_44 = tpu.memref_slice %arg6[%mul3A_2, %dma_wait3A_43] : memref<2048x64xf32, #tpu.memory_space<hbm>> -> memref<64x64xf32, #tpu.memory_space<hbm>>
    tpu.wait_dma2 semaphore(%arg17 : memref<!tpu.dma_semaphore, #tpu.memory_space<semaphore_mem>>) src(%arg12 : memref<64x64xf32, #tpu.memory_space<vmem>>) dst(%dma_wait3A_44 : memref<64x64xf32, #tpu.memory_space<hbm>>)
    %dma_wait3A_45 = arith.constant 0 : i32
    %dma_wait3A_46 = tpu.memref_slice %arg7[%mul3A_2, %dma_wait3A_45] : memref<2048x64xf32, #tpu.memory_space<hbm>> -> memref<64x64xf32, #tpu.memory_space<hbm>>
    %dma_wait3A_47 = arith.constant 0 : i32
    %dma_wait3A_48 = tpu.memref_slice %arg7[%mul3A_2, %dma_wait3A_47] : memref<2048x64xf32, #tpu.memory_space<hbm>> -> memref<64x64xf32, #tpu.memory_space<hbm>>
    tpu.wait_dma2 semaphore(%arg17 : memref<!tpu.dma_semaphore, #tpu.memory_space<semaphore_mem>>) src(%arg13 : memref<64x64xf32, #tpu.memory_space<vmem>>) dst(%dma_wait3A_48 : memref<64x64xf32, #tpu.memory_space<hbm>>)
    %dma_wait3A_49 = arith.constant 0 : i32
    %dma_wait3A_50 = tpu.memref_slice %arg8[%mul3A_2, %dma_wait3A_49] : memref<2048x32xf32, #tpu.memory_space<hbm>> -> memref<64x32xf32, #tpu.memory_space<hbm>>
    %dma_wait3A_51 = arith.constant 0 : i32
    %dma_wait3A_52 = tpu.memref_slice %arg8[%mul3A_2, %dma_wait3A_51] : memref<2048x32xf32, #tpu.memory_space<hbm>> -> memref<64x32xf32, #tpu.memory_space<hbm>>
    tpu.wait_dma2 semaphore(%arg17 : memref<!tpu.dma_semaphore, #tpu.memory_space<semaphore_mem>>) src(%arg14 : memref<64x32xf32, #tpu.memory_space<vmem>>) dst(%dma_wait3A_52 : memref<64x32xf32, #tpu.memory_space<hbm>>)
    %dma_wait3A_53 = arith.constant 0 : i32
    %dma_wait3A_54 = tpu.memref_slice %arg9[%mul3A_2, %dma_wait3A_53] : memref<2048x32xf32, #tpu.memory_space<hbm>> -> memref<64x32xf32, #tpu.memory_space<hbm>>
    %dma_wait3A_55 = arith.constant 0 : i32
    %dma_wait3A_56 = tpu.memref_slice %arg9[%mul3A_2, %dma_wait3A_55] : memref<2048x32xf32, #tpu.memory_space<hbm>> -> memref<64x32xf32, #tpu.memory_space<hbm>>
    tpu.wait_dma2 semaphore(%arg17 : memref<!tpu.dma_semaphore, #tpu.memory_space<semaphore_mem>>) src(%arg15 : memref<64x32xf32, #tpu.memory_space<vmem>>) dst(%dma_wait3A_56 : memref<64x32xf32, #tpu.memory_space<hbm>>)
    return
  }
}

module attributes {stable_mosaic.version = 14 : i64} {
  func.func @_fused_body(%arg0: i32, %arg1: memref<512x1xf32, #tpu.memory_space<vmem>>, %arg2: memref<512x16xf32, #tpu.memory_space<vmem>>, %arg3: memref<512x64xf32, #tpu.memory_space<vmem>>, %arg4: memref<512x64xf32, #tpu.memory_space<vmem>>, %arg5: memref<1024x1xi32, #tpu.memory_space<vmem>>, %arg6: memref<1024x1xi32, #tpu.memory_space<vmem>>, %arg7: memref<1024x64xf32, #tpu.memory_space<vmem>>, %arg8: memref<1024x64xf32, #tpu.memory_space<vmem>>, %arg9: memref<1024x64xf32, #tpu.memory_space<vmem>>, %arg10: memref<1024x64xf32, #tpu.memory_space<vmem>>, %arg11: memref<1024x64xf32, #tpu.memory_space<vmem>>, %arg12: memref<1024x64xf32, #tpu.memory_space<vmem>>, %arg13: memref<1024x32xf32, #tpu.memory_space<vmem>>, %arg14: memref<1024x32xf32, #tpu.memory_space<vmem>>, %arg15: memref<1024x16xf32, #tpu.memory_space<vmem>>, %arg16: memref<1x2048xi32, #tpu.memory_space<vmem>>, %arg17: memref<1x2048xi32, #tpu.memory_space<vmem>>, %arg18: memref<1x2048xi32, #tpu.memory_space<vmem>>, %arg19: memref<1x16xf32, #tpu.memory_space<vmem>>, %arg20: memref<1x16xf32, #tpu.memory_space<vmem>>, %arg21: memref<32x64xf32, #tpu.memory_space<vmem>>, %arg22: memref<1x64xf32, #tpu.memory_space<vmem>>, %arg23: memref<8192x64xbf16, #tpu.memory_space<vmem>>, %arg24: memref<128x64xf32, #tpu.memory_space<vmem>>, %arg25: memref<64x192xf32, #tpu.memory_space<vmem>>, %arg26: memref<64x192xf32, #tpu.memory_space<vmem>>, %arg27: memref<1x192xf32, #tpu.memory_space<vmem>>, %arg28: memref<1x192xf32, #tpu.memory_space<vmem>>, %arg29: memref<224x256xbf16, #tpu.memory_space<vmem>>, %arg30: memref<1x256xf32, #tpu.memory_space<vmem>>, %arg31: memref<256x256xbf16, #tpu.memory_space<vmem>>, %arg32: memref<1x256xf32, #tpu.memory_space<vmem>>, %arg33: memref<528x1xf32, #tpu.memory_space<vmem>>, %arg34: memref<1x1xf32, #tpu.memory_space<vmem>>, %arg35: memref<1024x1xf32, #tpu.memory_space<vmem>>, %arg36: memref<2x2048x64xbf16, #tpu.memory_space<vmem>>) attributes {dimension_semantics = [#tpu.dimension_semantics<arbitrary>], iteration_bounds = array<i64: 6>, scalar_prefetch = 0 : i64, scratch_operands = 1 : i64, tpu.core_type = #tpu.core_type<tc>, window_params = [{transform_indices = @transform_0, window_bounds = array<i64: 512, 1>}, {transform_indices = @transform_1, window_bounds = array<i64: 512, 16>}, {transform_indices = @transform_2, window_bounds = array<i64: 512, 64>}, {transform_indices = @transform_3, window_bounds = array<i64: 512, 64>}, {transform_indices = @transform_4, window_bounds = array<i64: 1024, 1>}, {transform_indices = @transform_5, window_bounds = array<i64: 1024, 1>}, {transform_indices = @transform_6, window_bounds = array<i64: 1024, 64>}, {transform_indices = @transform_7, window_bounds = array<i64: 1024, 64>}, {transform_indices = @transform_8, window_bounds = array<i64: 1024, 64>}, {transform_indices = @transform_9, window_bounds = array<i64: 1024, 64>}, {transform_indices = @transform_10, window_bounds = array<i64: 1024, 64>}, {transform_indices = @transform_11, window_bounds = array<i64: 1024, 64>}, {transform_indices = @transform_12, window_bounds = array<i64: 1024, 32>}, {transform_indices = @transform_13, window_bounds = array<i64: 1024, 32>}, {transform_indices = @transform_14, window_bounds = array<i64: 1024, 16>}, {pipeline_mode = #tpu.pipeline_mode<synchronous>, transform_indices = @transform_15, window_bounds = array<i64: 1, 2048>}, {pipeline_mode = #tpu.pipeline_mode<synchronous>, transform_indices = @transform_16, window_bounds = array<i64: 1, 2048>}, {pipeline_mode = #tpu.pipeline_mode<synchronous>, transform_indices = @transform_17, window_bounds = array<i64: 1, 2048>}, {pipeline_mode = #tpu.pipeline_mode<synchronous>, transform_indices = @transform_18, window_bounds = array<i64: 1, 16>}, {pipeline_mode = #tpu.pipeline_mode<synchronous>, transform_indices = @transform_19, window_bounds = array<i64: 1, 16>}, {pipeline_mode = #tpu.pipeline_mode<synchronous>, transform_indices = @transform_20, window_bounds = array<i64: 32, 64>}, {pipeline_mode = #tpu.pipeline_mode<synchronous>, transform_indices = @transform_21, window_bounds = array<i64: 1, 64>}, {pipeline_mode = #tpu.pipeline_mode<synchronous>, transform_indices = @transform_22, window_bounds = array<i64: 8192, 64>}, {pipeline_mode = #tpu.pipeline_mode<synchronous>, transform_indices = @transform_23, window_bounds = array<i64: 128, 64>}, {pipeline_mode = #tpu.pipeline_mode<synchronous>, transform_indices = @transform_24, window_bounds = array<i64: 64, 192>}, {pipeline_mode = #tpu.pipeline_mode<synchronous>, transform_indices = @transform_25, window_bounds = array<i64: 64, 192>}, {pipeline_mode = #tpu.pipeline_mode<synchronous>, transform_indices = @transform_26, window_bounds = array<i64: 1, 192>}, {pipeline_mode = #tpu.pipeline_mode<synchronous>, transform_indices = @transform_27, window_bounds = array<i64: 1, 192>}, {pipeline_mode = #tpu.pipeline_mode<synchronous>, transform_indices = @transform_28, window_bounds = array<i64: 224, 256>}, {pipeline_mode = #tpu.pipeline_mode<synchronous>, transform_indices = @transform_29, window_bounds = array<i64: 1, 256>}, {pipeline_mode = #tpu.pipeline_mode<synchronous>, transform_indices = @transform_30, window_bounds = array<i64: 256, 256>}, {pipeline_mode = #tpu.pipeline_mode<synchronous>, transform_indices = @transform_31, window_bounds = array<i64: 1, 256>}, {pipeline_mode = #tpu.pipeline_mode<synchronous>, transform_indices = @transform_32, window_bounds = array<i64: 528, 1>}, {pipeline_mode = #tpu.pipeline_mode<synchronous>, transform_indices = @transform_33, window_bounds = array<i64: 1, 1>}, {transform_indices = @transform_34, window_bounds = array<i64: 1024, 1>}]} {
    %lt3A = arith.constant 4 : i32
    %lt3A_0 = arith.cmpi slt, %arg0, %lt3A : i32
    %convert_element_type3A = arith.extui %lt3A_0 : i1 to i32
    %cond3A = arith.constant 0 : i32
    %cond3A_1 = arith.cmpi ne, %convert_element_type3A, %cond3A : i32
    scf.if %cond3A_1 {
      %get3A = arith.constant 0 : index
      %get3A_6 = arith.constant 0 : index
      %get3A_7 = vector.load %arg1[%get3A, %get3A_6] : memref<512x1xf32, #tpu.memory_space<vmem>>, vector<512x1xf32>
      %get3A_8 = arith.constant 0 : index
      %get3A_9 = arith.constant 0 : index
      %get3A_10 = vector.load %arg19[%get3A_8, %get3A_9] : memref<1x16xf32, #tpu.memory_space<vmem>>, vector<1x16xf32>
      %mul3A = vector.broadcast %get3A_7 : vector<512x1xf32> to vector<512x16xf32>
      %mul3A_11 = vector.broadcast %get3A_10 : vector<1x16xf32> to vector<512x16xf32>
      %mul3A_12 = arith.mulf %mul3A, %mul3A_11 : vector<512x16xf32>
      %get3A_13 = arith.constant 0 : index
      %get3A_14 = arith.constant 0 : index
      %get3A_15 = vector.load %arg20[%get3A_13, %get3A_14] : memref<1x16xf32, #tpu.memory_space<vmem>>, vector<1x16xf32>
      %add3A = vector.broadcast %get3A_15 : vector<1x16xf32> to vector<512x16xf32>
      %add3A_16 = arith.addf %mul3A_12, %add3A : vector<512x16xf32>
      %cos3A = math.cos %add3A_16 : vector<512x16xf32>
      %get3A_17 = arith.constant 0 : index
      %get3A_18 = arith.constant 0 : index
      %get3A_19 = vector.load %arg2[%get3A_17, %get3A_18] : memref<512x16xf32, #tpu.memory_space<vmem>>, vector<512x16xf32>
      %concatenate3A = tpu.concatenate %get3A_19, %cos3A in 1 : vector<512x16xf32>, vector<512x16xf32> -> vector<512x32xf32>
      %get3A_20 = arith.constant 0 : index
      %get3A_21 = arith.constant 0 : index
      %get3A_22 = vector.load %arg21[%get3A_20, %get3A_21] : memref<32x64xf32, #tpu.memory_space<vmem>>, vector<32x64xf32>
      %dot_general3A = arith.constant dense<0.000000e+00> : vector<512x64xf32>
      %dot_general3A_23 = tpu.matmul %concatenate3A, %get3A_22, %dot_general3A {dimension_numbers = #tpu.dot_dimension_numbers<[1], [0], [0], [1], [0, 0, 1, 1], [], []>, transpose_lhs_hint = false} : vector<512x32xf32>, vector<32x64xf32>, vector<512x64xf32> -> vector<512x64xf32>
      %get3A_24 = arith.constant 0 : index
      %get3A_25 = arith.constant 0 : index
      %get3A_26 = vector.load %arg22[%get3A_24, %get3A_25] : memref<1x64xf32, #tpu.memory_space<vmem>>, vector<1x64xf32>
      %add3A_27 = vector.broadcast %get3A_26 : vector<1x64xf32> to vector<512x64xf32>
      %add3A_28 = arith.addf %dot_general3A_23, %add3A_27 : vector<512x64xf32>
      %max3A = arith.constant 0.000000e+00 : f32
      %max3A_29 = vector.broadcast %max3A : f32 to vector<512x64xf32>
      %max3A_30 = arith.maximumf %add3A_28, %max3A_29 : vector<512x64xf32>
      %get3A_31 = arith.constant 0 : index
      %get3A_32 = arith.constant 0 : index
      %get3A_33 = vector.load %arg3[%get3A_31, %get3A_32] : memref<512x64xf32, #tpu.memory_space<vmem>>, vector<512x64xf32>
      %get3A_34 = arith.constant 0 : index
      %get3A_35 = arith.constant 0 : index
      %get3A_36 = vector.load %arg4[%get3A_34, %get3A_35] : memref<512x64xf32, #tpu.memory_space<vmem>>, vector<512x64xf32>
      %concatenate3A_37 = tpu.concatenate %get3A_33, %get3A_36 in 1 : vector<512x64xf32>, vector<512x64xf32> -> vector<512x128xf32>
      %concatenate3A_38 = tpu.concatenate %get3A_36, %get3A_33 in 1 : vector<512x64xf32>, vector<512x64xf32> -> vector<512x128xf32>
      %concatenate3A_39 = tpu.concatenate %concatenate3A_37, %concatenate3A_38 in 0 : vector<512x128xf32>, vector<512x128xf32> -> vector<1024x128xf32>
      %concatenate3A_40 = tpu.concatenate %max3A_30, %max3A_30 in 0 : vector<512x64xf32>, vector<512x64xf32> -> vector<1024x64xf32>
      %convert_element_type3A_41 = arith.truncf %concatenate3A_40 : vector<1024x64xf32> to vector<1024x64xbf16>
      %convert_element_type3A_42 = arith.truncf %concatenate3A_39 : vector<1024x128xf32> to vector<1024x128xbf16>
      %slice3A = vector.extract_strided_slice %convert_element_type3A_41 {offsets = [0, 0], sizes = [1024, 1], strides = [1, 1]} : vector<1024x64xbf16> to vector<1024x1xbf16>
      %mul3A_43 = vector.broadcast %slice3A : vector<1024x1xbf16> to vector<1024x128xbf16>
      %mul3A_44 = arith.mulf %mul3A_43, %convert_element_type3A_42 : vector<1024x128xbf16>
      %slice3A_45 = vector.extract_strided_slice %convert_element_type3A_41 {offsets = [0, 1], sizes = [1024, 1], strides = [1, 1]} : vector<1024x64xbf16> to vector<1024x1xbf16>
      %mul3A_46 = vector.broadcast %slice3A_45 : vector<1024x1xbf16> to vector<1024x128xbf16>
      %mul3A_47 = arith.mulf %mul3A_46, %convert_element_type3A_42 : vector<1024x128xbf16>
      %slice3A_48 = vector.extract_strided_slice %convert_element_type3A_41 {offsets = [0, 2], sizes = [1024, 1], strides = [1, 1]} : vector<1024x64xbf16> to vector<1024x1xbf16>
      %mul3A_49 = vector.broadcast %slice3A_48 : vector<1024x1xbf16> to vector<1024x128xbf16>
      %mul3A_50 = arith.mulf %mul3A_49, %convert_element_type3A_42 : vector<1024x128xbf16>
      %slice3A_51 = vector.extract_strided_slice %convert_element_type3A_41 {offsets = [0, 3], sizes = [1024, 1], strides = [1, 1]} : vector<1024x64xbf16> to vector<1024x1xbf16>
      %mul3A_52 = vector.broadcast %slice3A_51 : vector<1024x1xbf16> to vector<1024x128xbf16>
      %mul3A_53 = arith.mulf %mul3A_52, %convert_element_type3A_42 : vector<1024x128xbf16>
      %slice3A_54 = vector.extract_strided_slice %convert_element_type3A_41 {offsets = [0, 4], sizes = [1024, 1], strides = [1, 1]} : vector<1024x64xbf16> to vector<1024x1xbf16>
      %mul3A_55 = vector.broadcast %slice3A_54 : vector<1024x1xbf16> to vector<1024x128xbf16>
      %mul3A_56 = arith.mulf %mul3A_55, %convert_element_type3A_42 : vector<1024x128xbf16>
      %slice3A_57 = vector.extract_strided_slice %convert_element_type3A_41 {offsets = [0, 5], sizes = [1024, 1], strides = [1, 1]} : vector<1024x64xbf16> to vector<1024x1xbf16>
      %mul3A_58 = vector.broadcast %slice3A_57 : vector<1024x1xbf16> to vector<1024x128xbf16>
      %mul3A_59 = arith.mulf %mul3A_58, %convert_element_type3A_42 : vector<1024x128xbf16>
      %slice3A_60 = vector.extract_strided_slice %convert_element_type3A_41 {offsets = [0, 6], sizes = [1024, 1], strides = [1, 1]} : vector<1024x64xbf16> to vector<1024x1xbf16>
      %mul3A_61 = vector.broadcast %slice3A_60 : vector<1024x1xbf16> to vector<1024x128xbf16>
      %mul3A_62 = arith.mulf %mul3A_61, %convert_element_type3A_42 : vector<1024x128xbf16>
      %slice3A_63 = vector.extract_strided_slice %convert_element_type3A_41 {offsets = [0, 7], sizes = [1024, 1], strides = [1, 1]} : vector<1024x64xbf16> to vector<1024x1xbf16>
      %mul3A_64 = vector.broadcast %slice3A_63 : vector<1024x1xbf16> to vector<1024x128xbf16>
      %mul3A_65 = arith.mulf %mul3A_64, %convert_element_type3A_42 : vector<1024x128xbf16>
      %slice3A_66 = vector.extract_strided_slice %convert_element_type3A_41 {offsets = [0, 8], sizes = [1024, 1], strides = [1, 1]} : vector<1024x64xbf16> to vector<1024x1xbf16>
      %mul3A_67 = vector.broadcast %slice3A_66 : vector<1024x1xbf16> to vector<1024x128xbf16>
      %mul3A_68 = arith.mulf %mul3A_67, %convert_element_type3A_42 : vector<1024x128xbf16>
      %slice3A_69 = vector.extract_strided_slice %convert_element_type3A_41 {offsets = [0, 9], sizes = [1024, 1], strides = [1, 1]} : vector<1024x64xbf16> to vector<1024x1xbf16>
      %mul3A_70 = vector.broadcast %slice3A_69 : vector<1024x1xbf16> to vector<1024x128xbf16>
      %mul3A_71 = arith.mulf %mul3A_70, %convert_element_type3A_42 : vector<1024x128xbf16>
      %slice3A_72 = vector.extract_strided_slice %convert_element_type3A_41 {offsets = [0, 10], sizes = [1024, 1], strides = [1, 1]} : vector<1024x64xbf16> to vector<1024x1xbf16>
      %mul3A_73 = vector.broadcast %slice3A_72 : vector<1024x1xbf16> to vector<1024x128xbf16>
      %mul3A_74 = arith.mulf %mul3A_73, %convert_element_type3A_42 : vector<1024x128xbf16>
      %slice3A_75 = vector.extract_strided_slice %convert_element_type3A_41 {offsets = [0, 11], sizes = [1024, 1], strides = [1, 1]} : vector<1024x64xbf16> to vector<1024x1xbf16>
      %mul3A_76 = vector.broadcast %slice3A_75 : vector<1024x1xbf16> to vector<1024x128xbf16>
      %mul3A_77 = arith.mulf %mul3A_76, %convert_element_type3A_42 : vector<1024x128xbf16>
      %slice3A_78 = vector.extract_strided_slice %convert_element_type3A_41 {offsets = [0, 12], sizes = [1024, 1], strides = [1, 1]} : vector<1024x64xbf16> to vector<1024x1xbf16>
      %mul3A_79 = vector.broadcast %slice3A_78 : vector<1024x1xbf16> to vector<1024x128xbf16>
      %mul3A_80 = arith.mulf %mul3A_79, %convert_element_type3A_42 : vector<1024x128xbf16>
      %slice3A_81 = vector.extract_strided_slice %convert_element_type3A_41 {offsets = [0, 13], sizes = [1024, 1], strides = [1, 1]} : vector<1024x64xbf16> to vector<1024x1xbf16>
      %mul3A_82 = vector.broadcast %slice3A_81 : vector<1024x1xbf16> to vector<1024x128xbf16>
      %mul3A_83 = arith.mulf %mul3A_82, %convert_element_type3A_42 : vector<1024x128xbf16>
      %slice3A_84 = vector.extract_strided_slice %convert_element_type3A_41 {offsets = [0, 14], sizes = [1024, 1], strides = [1, 1]} : vector<1024x64xbf16> to vector<1024x1xbf16>
      %mul3A_85 = vector.broadcast %slice3A_84 : vector<1024x1xbf16> to vector<1024x128xbf16>
      %mul3A_86 = arith.mulf %mul3A_85, %convert_element_type3A_42 : vector<1024x128xbf16>
      %slice3A_87 = vector.extract_strided_slice %convert_element_type3A_41 {offsets = [0, 15], sizes = [1024, 1], strides = [1, 1]} : vector<1024x64xbf16> to vector<1024x1xbf16>
      %mul3A_88 = vector.broadcast %slice3A_87 : vector<1024x1xbf16> to vector<1024x128xbf16>
      %mul3A_89 = arith.mulf %mul3A_88, %convert_element_type3A_42 : vector<1024x128xbf16>
      %slice3A_90 = vector.extract_strided_slice %convert_element_type3A_41 {offsets = [0, 16], sizes = [1024, 1], strides = [1, 1]} : vector<1024x64xbf16> to vector<1024x1xbf16>
      %mul3A_91 = vector.broadcast %slice3A_90 : vector<1024x1xbf16> to vector<1024x128xbf16>
      %mul3A_92 = arith.mulf %mul3A_91, %convert_element_type3A_42 : vector<1024x128xbf16>
      %slice3A_93 = vector.extract_strided_slice %convert_element_type3A_41 {offsets = [0, 17], sizes = [1024, 1], strides = [1, 1]} : vector<1024x64xbf16> to vector<1024x1xbf16>
      %mul3A_94 = vector.broadcast %slice3A_93 : vector<1024x1xbf16> to vector<1024x128xbf16>
      %mul3A_95 = arith.mulf %mul3A_94, %convert_element_type3A_42 : vector<1024x128xbf16>
      %slice3A_96 = vector.extract_strided_slice %convert_element_type3A_41 {offsets = [0, 18], sizes = [1024, 1], strides = [1, 1]} : vector<1024x64xbf16> to vector<1024x1xbf16>
      %mul3A_97 = vector.broadcast %slice3A_96 : vector<1024x1xbf16> to vector<1024x128xbf16>
      %mul3A_98 = arith.mulf %mul3A_97, %convert_element_type3A_42 : vector<1024x128xbf16>
      %slice3A_99 = vector.extract_strided_slice %convert_element_type3A_41 {offsets = [0, 19], sizes = [1024, 1], strides = [1, 1]} : vector<1024x64xbf16> to vector<1024x1xbf16>
      %mul3A_100 = vector.broadcast %slice3A_99 : vector<1024x1xbf16> to vector<1024x128xbf16>
      %mul3A_101 = arith.mulf %mul3A_100, %convert_element_type3A_42 : vector<1024x128xbf16>
      %slice3A_102 = vector.extract_strided_slice %convert_element_type3A_41 {offsets = [0, 20], sizes = [1024, 1], strides = [1, 1]} : vector<1024x64xbf16> to vector<1024x1xbf16>
      %mul3A_103 = vector.broadcast %slice3A_102 : vector<1024x1xbf16> to vector<1024x128xbf16>
      %mul3A_104 = arith.mulf %mul3A_103, %convert_element_type3A_42 : vector<1024x128xbf16>
      %slice3A_105 = vector.extract_strided_slice %convert_element_type3A_41 {offsets = [0, 21], sizes = [1024, 1], strides = [1, 1]} : vector<1024x64xbf16> to vector<1024x1xbf16>
      %mul3A_106 = vector.broadcast %slice3A_105 : vector<1024x1xbf16> to vector<1024x128xbf16>
      %mul3A_107 = arith.mulf %mul3A_106, %convert_element_type3A_42 : vector<1024x128xbf16>
      %slice3A_108 = vector.extract_strided_slice %convert_element_type3A_41 {offsets = [0, 22], sizes = [1024, 1], strides = [1, 1]} : vector<1024x64xbf16> to vector<1024x1xbf16>
      %mul3A_109 = vector.broadcast %slice3A_108 : vector<1024x1xbf16> to vector<1024x128xbf16>
      %mul3A_110 = arith.mulf %mul3A_109, %convert_element_type3A_42 : vector<1024x128xbf16>
      %slice3A_111 = vector.extract_strided_slice %convert_element_type3A_41 {offsets = [0, 23], sizes = [1024, 1], strides = [1, 1]} : vector<1024x64xbf16> to vector<1024x1xbf16>
      %mul3A_112 = vector.broadcast %slice3A_111 : vector<1024x1xbf16> to vector<1024x128xbf16>
      %mul3A_113 = arith.mulf %mul3A_112, %convert_element_type3A_42 : vector<1024x128xbf16>
      %slice3A_114 = vector.extract_strided_slice %convert_element_type3A_41 {offsets = [0, 24], sizes = [1024, 1], strides = [1, 1]} : vector<1024x64xbf16> to vector<1024x1xbf16>
      %mul3A_115 = vector.broadcast %slice3A_114 : vector<1024x1xbf16> to vector<1024x128xbf16>
      %mul3A_116 = arith.mulf %mul3A_115, %convert_element_type3A_42 : vector<1024x128xbf16>
      %slice3A_117 = vector.extract_strided_slice %convert_element_type3A_41 {offsets = [0, 25], sizes = [1024, 1], strides = [1, 1]} : vector<1024x64xbf16> to vector<1024x1xbf16>
      %mul3A_118 = vector.broadcast %slice3A_117 : vector<1024x1xbf16> to vector<1024x128xbf16>
      %mul3A_119 = arith.mulf %mul3A_118, %convert_element_type3A_42 : vector<1024x128xbf16>
      %slice3A_120 = vector.extract_strided_slice %convert_element_type3A_41 {offsets = [0, 26], sizes = [1024, 1], strides = [1, 1]} : vector<1024x64xbf16> to vector<1024x1xbf16>
      %mul3A_121 = vector.broadcast %slice3A_120 : vector<1024x1xbf16> to vector<1024x128xbf16>
      %mul3A_122 = arith.mulf %mul3A_121, %convert_element_type3A_42 : vector<1024x128xbf16>
      %slice3A_123 = vector.extract_strided_slice %convert_element_type3A_41 {offsets = [0, 27], sizes = [1024, 1], strides = [1, 1]} : vector<1024x64xbf16> to vector<1024x1xbf16>
      %mul3A_124 = vector.broadcast %slice3A_123 : vector<1024x1xbf16> to vector<1024x128xbf16>
      %mul3A_125 = arith.mulf %mul3A_124, %convert_element_type3A_42 : vector<1024x128xbf16>
      %slice3A_126 = vector.extract_strided_slice %convert_element_type3A_41 {offsets = [0, 28], sizes = [1024, 1], strides = [1, 1]} : vector<1024x64xbf16> to vector<1024x1xbf16>
      %mul3A_127 = vector.broadcast %slice3A_126 : vector<1024x1xbf16> to vector<1024x128xbf16>
      %mul3A_128 = arith.mulf %mul3A_127, %convert_element_type3A_42 : vector<1024x128xbf16>
      %slice3A_129 = vector.extract_strided_slice %convert_element_type3A_41 {offsets = [0, 29], sizes = [1024, 1], strides = [1, 1]} : vector<1024x64xbf16> to vector<1024x1xbf16>
      %mul3A_130 = vector.broadcast %slice3A_129 : vector<1024x1xbf16> to vector<1024x128xbf16>
      %mul3A_131 = arith.mulf %mul3A_130, %convert_element_type3A_42 : vector<1024x128xbf16>
      %slice3A_132 = vector.extract_strided_slice %convert_element_type3A_41 {offsets = [0, 30], sizes = [1024, 1], strides = [1, 1]} : vector<1024x64xbf16> to vector<1024x1xbf16>
      %mul3A_133 = vector.broadcast %slice3A_132 : vector<1024x1xbf16> to vector<1024x128xbf16>
      %mul3A_134 = arith.mulf %mul3A_133, %convert_element_type3A_42 : vector<1024x128xbf16>
      %slice3A_135 = vector.extract_strided_slice %convert_element_type3A_41 {offsets = [0, 31], sizes = [1024, 1], strides = [1, 1]} : vector<1024x64xbf16> to vector<1024x1xbf16>
      %mul3A_136 = vector.broadcast %slice3A_135 : vector<1024x1xbf16> to vector<1024x128xbf16>
      %mul3A_137 = arith.mulf %mul3A_136, %convert_element_type3A_42 : vector<1024x128xbf16>
      %slice3A_138 = vector.extract_strided_slice %convert_element_type3A_41 {offsets = [0, 32], sizes = [1024, 1], strides = [1, 1]} : vector<1024x64xbf16> to vector<1024x1xbf16>
      %mul3A_139 = vector.broadcast %slice3A_138 : vector<1024x1xbf16> to vector<1024x128xbf16>
      %mul3A_140 = arith.mulf %mul3A_139, %convert_element_type3A_42 : vector<1024x128xbf16>
      %slice3A_141 = vector.extract_strided_slice %convert_element_type3A_41 {offsets = [0, 33], sizes = [1024, 1], strides = [1, 1]} : vector<1024x64xbf16> to vector<1024x1xbf16>
      %mul3A_142 = vector.broadcast %slice3A_141 : vector<1024x1xbf16> to vector<1024x128xbf16>
      %mul3A_143 = arith.mulf %mul3A_142, %convert_element_type3A_42 : vector<1024x128xbf16>
      %slice3A_144 = vector.extract_strided_slice %convert_element_type3A_41 {offsets = [0, 34], sizes = [1024, 1], strides = [1, 1]} : vector<1024x64xbf16> to vector<1024x1xbf16>
      %mul3A_145 = vector.broadcast %slice3A_144 : vector<1024x1xbf16> to vector<1024x128xbf16>
      %mul3A_146 = arith.mulf %mul3A_145, %convert_element_type3A_42 : vector<1024x128xbf16>
      %slice3A_147 = vector.extract_strided_slice %convert_element_type3A_41 {offsets = [0, 35], sizes = [1024, 1], strides = [1, 1]} : vector<1024x64xbf16> to vector<1024x1xbf16>
      %mul3A_148 = vector.broadcast %slice3A_147 : vector<1024x1xbf16> to vector<1024x128xbf16>
      %mul3A_149 = arith.mulf %mul3A_148, %convert_element_type3A_42 : vector<1024x128xbf16>
      %slice3A_150 = vector.extract_strided_slice %convert_element_type3A_41 {offsets = [0, 36], sizes = [1024, 1], strides = [1, 1]} : vector<1024x64xbf16> to vector<1024x1xbf16>
      %mul3A_151 = vector.broadcast %slice3A_150 : vector<1024x1xbf16> to vector<1024x128xbf16>
      %mul3A_152 = arith.mulf %mul3A_151, %convert_element_type3A_42 : vector<1024x128xbf16>
      %slice3A_153 = vector.extract_strided_slice %convert_element_type3A_41 {offsets = [0, 37], sizes = [1024, 1], strides = [1, 1]} : vector<1024x64xbf16> to vector<1024x1xbf16>
      %mul3A_154 = vector.broadcast %slice3A_153 : vector<1024x1xbf16> to vector<1024x128xbf16>
      %mul3A_155 = arith.mulf %mul3A_154, %convert_element_type3A_42 : vector<1024x128xbf16>
      %slice3A_156 = vector.extract_strided_slice %convert_element_type3A_41 {offsets = [0, 38], sizes = [1024, 1], strides = [1, 1]} : vector<1024x64xbf16> to vector<1024x1xbf16>
      %mul3A_157 = vector.broadcast %slice3A_156 : vector<1024x1xbf16> to vector<1024x128xbf16>
      %mul3A_158 = arith.mulf %mul3A_157, %convert_element_type3A_42 : vector<1024x128xbf16>
      %slice3A_159 = vector.extract_strided_slice %convert_element_type3A_41 {offsets = [0, 39], sizes = [1024, 1], strides = [1, 1]} : vector<1024x64xbf16> to vector<1024x1xbf16>
      %mul3A_160 = vector.broadcast %slice3A_159 : vector<1024x1xbf16> to vector<1024x128xbf16>
      %mul3A_161 = arith.mulf %mul3A_160, %convert_element_type3A_42 : vector<1024x128xbf16>
      %slice3A_162 = vector.extract_strided_slice %convert_element_type3A_41 {offsets = [0, 40], sizes = [1024, 1], strides = [1, 1]} : vector<1024x64xbf16> to vector<1024x1xbf16>
      %mul3A_163 = vector.broadcast %slice3A_162 : vector<1024x1xbf16> to vector<1024x128xbf16>
      %mul3A_164 = arith.mulf %mul3A_163, %convert_element_type3A_42 : vector<1024x128xbf16>
      %slice3A_165 = vector.extract_strided_slice %convert_element_type3A_41 {offsets = [0, 41], sizes = [1024, 1], strides = [1, 1]} : vector<1024x64xbf16> to vector<1024x1xbf16>
      %mul3A_166 = vector.broadcast %slice3A_165 : vector<1024x1xbf16> to vector<1024x128xbf16>
      %mul3A_167 = arith.mulf %mul3A_166, %convert_element_type3A_42 : vector<1024x128xbf16>
      %slice3A_168 = vector.extract_strided_slice %convert_element_type3A_41 {offsets = [0, 42], sizes = [1024, 1], strides = [1, 1]} : vector<1024x64xbf16> to vector<1024x1xbf16>
      %mul3A_169 = vector.broadcast %slice3A_168 : vector<1024x1xbf16> to vector<1024x128xbf16>
      %mul3A_170 = arith.mulf %mul3A_169, %convert_element_type3A_42 : vector<1024x128xbf16>
      %slice3A_171 = vector.extract_strided_slice %convert_element_type3A_41 {offsets = [0, 43], sizes = [1024, 1], strides = [1, 1]} : vector<1024x64xbf16> to vector<1024x1xbf16>
      %mul3A_172 = vector.broadcast %slice3A_171 : vector<1024x1xbf16> to vector<1024x128xbf16>
      %mul3A_173 = arith.mulf %mul3A_172, %convert_element_type3A_42 : vector<1024x128xbf16>
      %slice3A_174 = vector.extract_strided_slice %convert_element_type3A_41 {offsets = [0, 44], sizes = [1024, 1], strides = [1, 1]} : vector<1024x64xbf16> to vector<1024x1xbf16>
      %mul3A_175 = vector.broadcast %slice3A_174 : vector<1024x1xbf16> to vector<1024x128xbf16>
      %mul3A_176 = arith.mulf %mul3A_175, %convert_element_type3A_42 : vector<1024x128xbf16>
      %slice3A_177 = vector.extract_strided_slice %convert_element_type3A_41 {offsets = [0, 45], sizes = [1024, 1], strides = [1, 1]} : vector<1024x64xbf16> to vector<1024x1xbf16>
      %mul3A_178 = vector.broadcast %slice3A_177 : vector<1024x1xbf16> to vector<1024x128xbf16>
      %mul3A_179 = arith.mulf %mul3A_178, %convert_element_type3A_42 : vector<1024x128xbf16>
      %slice3A_180 = vector.extract_strided_slice %convert_element_type3A_41 {offsets = [0, 46], sizes = [1024, 1], strides = [1, 1]} : vector<1024x64xbf16> to vector<1024x1xbf16>
      %mul3A_181 = vector.broadcast %slice3A_180 : vector<1024x1xbf16> to vector<1024x128xbf16>
      %mul3A_182 = arith.mulf %mul3A_181, %convert_element_type3A_42 : vector<1024x128xbf16>
      %slice3A_183 = vector.extract_strided_slice %convert_element_type3A_41 {offsets = [0, 47], sizes = [1024, 1], strides = [1, 1]} : vector<1024x64xbf16> to vector<1024x1xbf16>
      %mul3A_184 = vector.broadcast %slice3A_183 : vector<1024x1xbf16> to vector<1024x128xbf16>
      %mul3A_185 = arith.mulf %mul3A_184, %convert_element_type3A_42 : vector<1024x128xbf16>
      %slice3A_186 = vector.extract_strided_slice %convert_element_type3A_41 {offsets = [0, 48], sizes = [1024, 1], strides = [1, 1]} : vector<1024x64xbf16> to vector<1024x1xbf16>
      %mul3A_187 = vector.broadcast %slice3A_186 : vector<1024x1xbf16> to vector<1024x128xbf16>
      %mul3A_188 = arith.mulf %mul3A_187, %convert_element_type3A_42 : vector<1024x128xbf16>
      %slice3A_189 = vector.extract_strided_slice %convert_element_type3A_41 {offsets = [0, 49], sizes = [1024, 1], strides = [1, 1]} : vector<1024x64xbf16> to vector<1024x1xbf16>
      %mul3A_190 = vector.broadcast %slice3A_189 : vector<1024x1xbf16> to vector<1024x128xbf16>
      %mul3A_191 = arith.mulf %mul3A_190, %convert_element_type3A_42 : vector<1024x128xbf16>
      %slice3A_192 = vector.extract_strided_slice %convert_element_type3A_41 {offsets = [0, 50], sizes = [1024, 1], strides = [1, 1]} : vector<1024x64xbf16> to vector<1024x1xbf16>
      %mul3A_193 = vector.broadcast %slice3A_192 : vector<1024x1xbf16> to vector<1024x128xbf16>
      %mul3A_194 = arith.mulf %mul3A_193, %convert_element_type3A_42 : vector<1024x128xbf16>
      %slice3A_195 = vector.extract_strided_slice %convert_element_type3A_41 {offsets = [0, 51], sizes = [1024, 1], strides = [1, 1]} : vector<1024x64xbf16> to vector<1024x1xbf16>
      %mul3A_196 = vector.broadcast %slice3A_195 : vector<1024x1xbf16> to vector<1024x128xbf16>
      %mul3A_197 = arith.mulf %mul3A_196, %convert_element_type3A_42 : vector<1024x128xbf16>
      %slice3A_198 = vector.extract_strided_slice %convert_element_type3A_41 {offsets = [0, 52], sizes = [1024, 1], strides = [1, 1]} : vector<1024x64xbf16> to vector<1024x1xbf16>
      %mul3A_199 = vector.broadcast %slice3A_198 : vector<1024x1xbf16> to vector<1024x128xbf16>
      %mul3A_200 = arith.mulf %mul3A_199, %convert_element_type3A_42 : vector<1024x128xbf16>
      %slice3A_201 = vector.extract_strided_slice %convert_element_type3A_41 {offsets = [0, 53], sizes = [1024, 1], strides = [1, 1]} : vector<1024x64xbf16> to vector<1024x1xbf16>
      %mul3A_202 = vector.broadcast %slice3A_201 : vector<1024x1xbf16> to vector<1024x128xbf16>
      %mul3A_203 = arith.mulf %mul3A_202, %convert_element_type3A_42 : vector<1024x128xbf16>
      %slice3A_204 = vector.extract_strided_slice %convert_element_type3A_41 {offsets = [0, 54], sizes = [1024, 1], strides = [1, 1]} : vector<1024x64xbf16> to vector<1024x1xbf16>
      %mul3A_205 = vector.broadcast %slice3A_204 : vector<1024x1xbf16> to vector<1024x128xbf16>
      %mul3A_206 = arith.mulf %mul3A_205, %convert_element_type3A_42 : vector<1024x128xbf16>
      %slice3A_207 = vector.extract_strided_slice %convert_element_type3A_41 {offsets = [0, 55], sizes = [1024, 1], strides = [1, 1]} : vector<1024x64xbf16> to vector<1024x1xbf16>
      %mul3A_208 = vector.broadcast %slice3A_207 : vector<1024x1xbf16> to vector<1024x128xbf16>
      %mul3A_209 = arith.mulf %mul3A_208, %convert_element_type3A_42 : vector<1024x128xbf16>
      %slice3A_210 = vector.extract_strided_slice %convert_element_type3A_41 {offsets = [0, 56], sizes = [1024, 1], strides = [1, 1]} : vector<1024x64xbf16> to vector<1024x1xbf16>
      %mul3A_211 = vector.broadcast %slice3A_210 : vector<1024x1xbf16> to vector<1024x128xbf16>
      %mul3A_212 = arith.mulf %mul3A_211, %convert_element_type3A_42 : vector<1024x128xbf16>
      %slice3A_213 = vector.extract_strided_slice %convert_element_type3A_41 {offsets = [0, 57], sizes = [1024, 1], strides = [1, 1]} : vector<1024x64xbf16> to vector<1024x1xbf16>
      %mul3A_214 = vector.broadcast %slice3A_213 : vector<1024x1xbf16> to vector<1024x128xbf16>
      %mul3A_215 = arith.mulf %mul3A_214, %convert_element_type3A_42 : vector<1024x128xbf16>
      %slice3A_216 = vector.extract_strided_slice %convert_element_type3A_41 {offsets = [0, 58], sizes = [1024, 1], strides = [1, 1]} : vector<1024x64xbf16> to vector<1024x1xbf16>
      %mul3A_217 = vector.broadcast %slice3A_216 : vector<1024x1xbf16> to vector<1024x128xbf16>
      %mul3A_218 = arith.mulf %mul3A_217, %convert_element_type3A_42 : vector<1024x128xbf16>
      %slice3A_219 = vector.extract_strided_slice %convert_element_type3A_41 {offsets = [0, 59], sizes = [1024, 1], strides = [1, 1]} : vector<1024x64xbf16> to vector<1024x1xbf16>
      %mul3A_220 = vector.broadcast %slice3A_219 : vector<1024x1xbf16> to vector<1024x128xbf16>
      %mul3A_221 = arith.mulf %mul3A_220, %convert_element_type3A_42 : vector<1024x128xbf16>
      %slice3A_222 = vector.extract_strided_slice %convert_element_type3A_41 {offsets = [0, 60], sizes = [1024, 1], strides = [1, 1]} : vector<1024x64xbf16> to vector<1024x1xbf16>
      %mul3A_223 = vector.broadcast %slice3A_222 : vector<1024x1xbf16> to vector<1024x128xbf16>
      %mul3A_224 = arith.mulf %mul3A_223, %convert_element_type3A_42 : vector<1024x128xbf16>
      %slice3A_225 = vector.extract_strided_slice %convert_element_type3A_41 {offsets = [0, 61], sizes = [1024, 1], strides = [1, 1]} : vector<1024x64xbf16> to vector<1024x1xbf16>
      %mul3A_226 = vector.broadcast %slice3A_225 : vector<1024x1xbf16> to vector<1024x128xbf16>
      %mul3A_227 = arith.mulf %mul3A_226, %convert_element_type3A_42 : vector<1024x128xbf16>
      %slice3A_228 = vector.extract_strided_slice %convert_element_type3A_41 {offsets = [0, 62], sizes = [1024, 1], strides = [1, 1]} : vector<1024x64xbf16> to vector<1024x1xbf16>
      %mul3A_229 = vector.broadcast %slice3A_228 : vector<1024x1xbf16> to vector<1024x128xbf16>
      %mul3A_230 = arith.mulf %mul3A_229, %convert_element_type3A_42 : vector<1024x128xbf16>
      %slice3A_231 = vector.extract_strided_slice %convert_element_type3A_41 {offsets = [0, 63], sizes = [1024, 1], strides = [1, 1]} : vector<1024x64xbf16> to vector<1024x1xbf16>
      %mul3A_232 = vector.broadcast %slice3A_231 : vector<1024x1xbf16> to vector<1024x128xbf16>
      %mul3A_233 = arith.mulf %mul3A_232, %convert_element_type3A_42 : vector<1024x128xbf16>
      %concatenate3A_234 = tpu.concatenate %mul3A_44, %mul3A_47, %mul3A_50, %mul3A_53, %mul3A_56, %mul3A_59, %mul3A_62, %mul3A_65, %mul3A_68, %mul3A_71, %mul3A_74, %mul3A_77, %mul3A_80, %mul3A_83, %mul3A_86, %mul3A_89, %mul3A_92, %mul3A_95, %mul3A_98, %mul3A_101, %mul3A_104, %mul3A_107, %mul3A_110, %mul3A_113, %mul3A_116, %mul3A_119, %mul3A_122, %mul3A_125, %mul3A_128, %mul3A_131, %mul3A_134, %mul3A_137, %mul3A_140, %mul3A_143, %mul3A_146, %mul3A_149, %mul3A_152, %mul3A_155, %mul3A_158, %mul3A_161, %mul3A_164, %mul3A_167, %mul3A_170, %mul3A_173, %mul3A_176, %mul3A_179, %mul3A_182, %mul3A_185, %mul3A_188, %mul3A_191, %mul3A_194, %mul3A_197, %mul3A_200, %mul3A_203, %mul3A_206, %mul3A_209, %mul3A_212, %mul3A_215, %mul3A_218, %mul3A_221, %mul3A_224, %mul3A_227, %mul3A_230, %mul3A_233 in 1 : vector<1024x128xbf16>, vector<1024x128xbf16>, vector<1024x128xbf16>, vector<1024x128xbf16>, vector<1024x128xbf16>, vector<1024x128xbf16>, vector<1024x128xbf16>, vector<1024x128xbf16>, vector<1024x128xbf16>, vector<1024x128xbf16>, vector<1024x128xbf16>, vector<1024x128xbf16>, vector<1024x128xbf16>, vector<1024x128xbf16>, vector<1024x128xbf16>, vector<1024x128xbf16>, vector<1024x128xbf16>, vector<1024x128xbf16>, vector<1024x128xbf16>, vector<1024x128xbf16>, vector<1024x128xbf16>, vector<1024x128xbf16>, vector<1024x128xbf16>, vector<1024x128xbf16>, vector<1024x128xbf16>, vector<1024x128xbf16>, vector<1024x128xbf16>, vector<1024x128xbf16>, vector<1024x128xbf16>, vector<1024x128xbf16>, vector<1024x128xbf16>, vector<1024x128xbf16>, vector<1024x128xbf16>, vector<1024x128xbf16>, vector<1024x128xbf16>, vector<1024x128xbf16>, vector<1024x128xbf16>, vector<1024x128xbf16>, vector<1024x128xbf16>, vector<1024x128xbf16>, vector<1024x128xbf16>, vector<1024x128xbf16>, vector<1024x128xbf16>, vector<1024x128xbf16>, vector<1024x128xbf16>, vector<1024x128xbf16>, vector<1024x128xbf16>, vector<1024x128xbf16>, vector<1024x128xbf16>, vector<1024x128xbf16>, vector<1024x128xbf16>, vector<1024x128xbf16>, vector<1024x128xbf16>, vector<1024x128xbf16>, vector<1024x128xbf16>, vector<1024x128xbf16>, vector<1024x128xbf16>, vector<1024x128xbf16>, vector<1024x128xbf16>, vector<1024x128xbf16>, vector<1024x128xbf16>, vector<1024x128xbf16>, vector<1024x128xbf16>, vector<1024x128xbf16> -> vector<1024x8192xbf16>
      %get3A_235 = arith.constant 0 : index
      %get3A_236 = arith.constant 0 : index
      %get3A_237 = vector.load %arg23[%get3A_235, %get3A_236] : memref<8192x64xbf16, #tpu.memory_space<vmem>>, vector<8192x64xbf16>
      %dot_general3A_238 = arith.constant dense<0.000000e+00> : vector<1024x64xf32>
      %dot_general3A_239 = tpu.matmul %concatenate3A_234, %get3A_237, %dot_general3A_238 {dimension_numbers = #tpu.dot_dimension_numbers<[1], [0], [0], [1], [0, 0, 1, 1], [], []>, transpose_lhs_hint = false} : vector<1024x8192xbf16>, vector<8192x64xbf16>, vector<1024x64xf32> -> vector<1024x64xf32>
      %get3A_240 = arith.constant 0 : index
      %get3A_241 = arith.constant 0 : index
      %get3A_242 = vector.load %arg24[%get3A_240, %get3A_241] : memref<128x64xf32, #tpu.memory_space<vmem>>, vector<128x64xf32>
      %dot_general3A_243 = arith.constant dense<0.000000e+00> : vector<1024x64xf32>
      %dot_general3A_244 = tpu.matmul %concatenate3A_39, %get3A_242, %dot_general3A_243 {dimension_numbers = #tpu.dot_dimension_numbers<[1], [0], [0], [1], [0, 0, 1, 1], [], []>, transpose_lhs_hint = false} : vector<1024x128xf32>, vector<128x64xf32>, vector<1024x64xf32> -> vector<1024x64xf32>
      %add3A_245 = arith.addf %dot_general3A_239, %dot_general3A_244 : vector<1024x64xf32>
      %mul3A_246 = arith.constant 512 : i32
      %mul3A_247 = arith.muli %arg0, %mul3A_246 : i32
      %slice3A_248 = vector.extract_strided_slice %add3A_245 {offsets = [0, 0], sizes = [512, 64], strides = [1, 1]} : vector<1024x64xf32> to vector<512x64xf32>
      %convert_element_type3A_249 = arith.truncf %slice3A_248 : vector<512x64xf32> to vector<512x64xbf16>
      %swap3A = arith.constant 0 : index
      %swap3A_250 = arith.index_cast %mul3A_247 : i32 to index
      %swap3A_251 = arith.constant 0 : index
      %swap3A_252 = vector.load %arg36[%swap3A, %swap3A_250, %swap3A_251] : memref<2x2048x64xbf16, #tpu.memory_space<vmem>>, vector<1x512x64xbf16>
      %swap3A_253 = vector.shape_cast %swap3A_252 : vector<1x512x64xbf16> to vector<512x64xbf16>
      %swap3A_254 = vector.shape_cast %convert_element_type3A_249 : vector<512x64xbf16> to vector<1x512x64xbf16>
      tpu.vector_store %arg36[%swap3A, %swap3A_250, %swap3A_251], %swap3A_254 {strides = array<i32>} : memref<2x2048x64xbf16, #tpu.memory_space<vmem>>, vector<1x512x64xbf16>,
      %slice3A_255 = vector.extract_strided_slice %add3A_245 {offsets = [512, 0], sizes = [512, 64], strides = [1, 1]} : vector<1024x64xf32> to vector<512x64xf32>
      %convert_element_type3A_256 = arith.truncf %slice3A_255 : vector<512x64xf32> to vector<512x64xbf16>
      %swap3A_257 = arith.constant 1 : index
      %swap3A_258 = arith.index_cast %mul3A_247 : i32 to index
      %swap3A_259 = arith.constant 0 : index
      %swap3A_260 = vector.load %arg36[%swap3A_257, %swap3A_258, %swap3A_259] : memref<2x2048x64xbf16, #tpu.memory_space<vmem>>, vector<1x512x64xbf16>
      %swap3A_261 = vector.shape_cast %swap3A_260 : vector<1x512x64xbf16> to vector<512x64xbf16>
      %swap3A_262 = vector.shape_cast %convert_element_type3A_256 : vector<512x64xbf16> to vector<1x512x64xbf16>
      tpu.vector_store %arg36[%swap3A_257, %swap3A_258, %swap3A_259], %swap3A_262 {strides = array<i32>} : memref<2x2048x64xbf16, #tpu.memory_space<vmem>>, vector<1x512x64xbf16>,
    } else {
    }
    %ge3A = arith.constant 4 : i32
    %ge3A_2 = arith.cmpi sge, %arg0, %ge3A : i32
    %convert_element_type3A_3 = arith.extui %ge3A_2 : i1 to i32
    %cond3A_4 = arith.constant 0 : i32
    %cond3A_5 = arith.cmpi ne, %convert_element_type3A_3, %cond3A_4 : i32
    scf.if %cond3A_5 {
      %iota3A = tpu.iota {dimensions = array<i32: 1>} : vector<1x2048xi32>
      %get3A = arith.constant 0 : index
      %get3A_6 = arith.constant 0 : index
      %get3A_7 = vector.load %arg18[%get3A, %get3A_6] : memref<1x2048xi32, #tpu.memory_space<vmem>>, vector<1x2048xi32>
      %mul3A = arith.constant 4096 : i32
      %mul3A_8 = vector.broadcast %mul3A : i32 to vector<1x2048xi32>
      %mul3A_9 = arith.muli %get3A_7, %mul3A_8 : vector<1x2048xi32>
      %add3A = arith.addi %mul3A_9, %iota3A : vector<1x2048xi32>
      %add3A_10 = arith.constant 2048 : i32
      %add3A_11 = vector.broadcast %add3A_10 : i32 to vector<1x2048xi32>
      %add3A_12 = arith.addi %add3A, %add3A_11 : vector<1x2048xi32>
      %get3A_13 = arith.constant 0 : index
      %get3A_14 = arith.constant 0 : index
      %get3A_15 = vector.load %arg16[%get3A_13, %get3A_14] : memref<1x2048xi32, #tpu.memory_space<vmem>>, vector<1x2048xi32>
      %get3A_16 = arith.constant 0 : index
      %get3A_17 = arith.constant 0 : index
      %get3A_18 = vector.load %arg17[%get3A_16, %get3A_17] : memref<1x2048xi32, #tpu.memory_space<vmem>>, vector<1x2048xi32>
      %get3A_19 = arith.constant 0 : index
      %get3A_20 = arith.constant 0 : index
      %get3A_21 = arith.constant 0 : index
      %get3A_22 = vector.load %arg36[%get3A_19, %get3A_20, %get3A_21] : memref<2x2048x64xbf16, #tpu.memory_space<vmem>>, vector<1x2048x64xbf16>
      %get3A_23 = vector.shape_cast %get3A_22 : vector<1x2048x64xbf16> to vector<2048x64xbf16>
      %get3A_24 = arith.constant 1 : index
      %get3A_25 = arith.constant 0 : index
      %get3A_26 = arith.constant 0 : index
      %get3A_27 = vector.load %arg36[%get3A_24, %get3A_25, %get3A_26] : memref<2x2048x64xbf16, #tpu.memory_space<vmem>>, vector<1x2048x64xbf16>
      %get3A_28 = vector.shape_cast %get3A_27 : vector<1x2048x64xbf16> to vector<2048x64xbf16>
      %get3A_29 = arith.constant 0 : index
      %get3A_30 = arith.constant 0 : index
      %get3A_31 = vector.load %arg5[%get3A_29, %get3A_30] : memref<1024x1xi32, #tpu.memory_space<vmem>>, vector<1024x1xi32>
      %eq3A = vector.broadcast %get3A_15 : vector<1x2048xi32> to vector<1024x2048xi32>
      %eq3A_32 = vector.broadcast %get3A_31 : vector<1024x1xi32> to vector<1024x2048xi32>
      %eq3A_33 = arith.cmpi eq, %eq3A, %eq3A_32 : vector<1024x2048xi32>
      %jit3A = arith.constant -1 : i32
      %broadcast_in_dim3A = vector.shape_cast %add3A : vector<1x2048xi32> to vector<1x2048xi32>
      %broadcast_in_dim3A_34 = vector.broadcast %broadcast_in_dim3A : vector<1x2048xi32> to vector<1024x2048xi32>
      %broadcast_in_dim3A_35 = vector.broadcast %jit3A : i32 to vector<1024x2048xi32>
      %select_n3A = arith.select %eq3A_33, %broadcast_in_dim3A_34, %broadcast_in_dim3A_35 : vector<1024x2048xi1>, vector<1024x2048xi32>
      %eq3A_36 = vector.broadcast %get3A_18 : vector<1x2048xi32> to vector<1024x2048xi32>
      %eq3A_37 = vector.broadcast %get3A_31 : vector<1024x1xi32> to vector<1024x2048xi32>
      %eq3A_38 = arith.cmpi eq, %eq3A_36, %eq3A_37 : vector<1024x2048xi32>
      %jit3A_39 = arith.constant -1 : i32
      %broadcast_in_dim3A_40 = vector.shape_cast %add3A_12 : vector<1x2048xi32> to vector<1x2048xi32>
      %broadcast_in_dim3A_41 = vector.broadcast %broadcast_in_dim3A_40 : vector<1x2048xi32> to vector<1024x2048xi32>
      %broadcast_in_dim3A_42 = vector.broadcast %jit3A_39 : i32 to vector<1024x2048xi32>
      %select_n3A_43 = arith.select %eq3A_38, %broadcast_in_dim3A_41, %broadcast_in_dim3A_42 : vector<1024x2048xi1>, vector<1024x2048xi32>
      %reduce_max3A = arith.constant dense<-2147483648> : vector<1024xi32>
      %reduce_max3A_44 = vector.multi_reduction <maxsi>, %select_n3A, %reduce_max3A [1] : vector<1024x2048xi32> to vector<1024xi32>
      %broadcast_in_dim3A_45 = vector.shape_cast %reduce_max3A_44 : vector<1024xi32> to vector<1024x1xi32>
      %reduce_max3A_46 = arith.constant dense<-2147483648> : vector<1024xi32>
      %reduce_max3A_47 = vector.multi_reduction <maxsi>, %select_n3A_43, %reduce_max3A_46 [1] : vector<1024x2048xi32> to vector<1024xi32>
      %broadcast_in_dim3A_48 = vector.shape_cast %reduce_max3A_47 : vector<1024xi32> to vector<1024x1xi32>
      %max3A = arith.maxsi %broadcast_in_dim3A_45, %broadcast_in_dim3A_48 : vector<1024x1xi32>
      %eq3A_49 = vector.broadcast %add3A : vector<1x2048xi32> to vector<1024x2048xi32>
      %eq3A_50 = vector.broadcast %max3A : vector<1024x1xi32> to vector<1024x2048xi32>
      %eq3A_51 = arith.cmpi eq, %eq3A_49, %eq3A_50 : vector<1024x2048xi32>
      %convert_element_type3A_52 = arith.extui %eq3A_51 : vector<1024x2048xi1> to vector<1024x2048xi32>
      %convert_element_type3A_53 = arith.sitofp %convert_element_type3A_52 : vector<1024x2048xi32> to vector<1024x2048xf32>
      %convert_element_type3A_54 = arith.truncf %convert_element_type3A_53 : vector<1024x2048xf32> to vector<1024x2048xbf16>
      %eq3A_55 = vector.broadcast %add3A_12 : vector<1x2048xi32> to vector<1024x2048xi32>
      %eq3A_56 = vector.broadcast %max3A : vector<1024x1xi32> to vector<1024x2048xi32>
      %eq3A_57 = arith.cmpi eq, %eq3A_55, %eq3A_56 : vector<1024x2048xi32>
      %convert_element_type3A_58 = arith.extui %eq3A_57 : vector<1024x2048xi1> to vector<1024x2048xi32>
      %convert_element_type3A_59 = arith.sitofp %convert_element_type3A_58 : vector<1024x2048xi32> to vector<1024x2048xf32>
      %convert_element_type3A_60 = arith.truncf %convert_element_type3A_59 : vector<1024x2048xf32> to vector<1024x2048xbf16>
      %dot_general3A = arith.constant dense<0.000000e+00> : vector<1024x64xf32>
      %dot_general3A_61 = tpu.matmul %convert_element_type3A_54, %get3A_23, %dot_general3A {dimension_numbers = #tpu.dot_dimension_numbers<[1], [0], [0], [1], [0, 0, 1, 1], [], []>, transpose_lhs_hint = false} : vector<1024x2048xbf16>, vector<2048x64xbf16>, vector<1024x64xf32> -> vector<1024x64xf32>
      %dot_general3A_62 = arith.constant dense<0.000000e+00> : vector<1024x64xf32>
      %dot_general3A_63 = tpu.matmul %convert_element_type3A_60, %get3A_28, %dot_general3A_62 {dimension_numbers = #tpu.dot_dimension_numbers<[1], [0], [0], [1], [0, 0, 1, 1], [], []>, transpose_lhs_hint = false} : vector<1024x2048xbf16>, vector<2048x64xbf16>, vector<1024x64xf32> -> vector<1024x64xf32>
      %add3A_64 = arith.addf %dot_general3A_61, %dot_general3A_63 : vector<1024x64xf32>
      %get3A_65 = arith.constant 0 : index
      %get3A_66 = arith.constant 0 : index
      %get3A_67 = vector.load %arg6[%get3A_65, %get3A_66] : memref<1024x1xi32, #tpu.memory_space<vmem>>, vector<1024x1xi32>
      %eq3A_68 = vector.broadcast %get3A_15 : vector<1x2048xi32> to vector<1024x2048xi32>
      %eq3A_69 = vector.broadcast %get3A_67 : vector<1024x1xi32> to vector<1024x2048xi32>
      %eq3A_70 = arith.cmpi eq, %eq3A_68, %eq3A_69 : vector<1024x2048xi32>
      %jit3A_71 = arith.constant -1 : i32
      %broadcast_in_dim3A_72 = vector.shape_cast %add3A : vector<1x2048xi32> to vector<1x2048xi32>
      %broadcast_in_dim3A_73 = vector.broadcast %broadcast_in_dim3A_72 : vector<1x2048xi32> to vector<1024x2048xi32>
      %broadcast_in_dim3A_74 = vector.broadcast %jit3A_71 : i32 to vector<1024x2048xi32>
      %select_n3A_75 = arith.select %eq3A_70, %broadcast_in_dim3A_73, %broadcast_in_dim3A_74 : vector<1024x2048xi1>, vector<1024x2048xi32>
      %eq3A_76 = vector.broadcast %get3A_18 : vector<1x2048xi32> to vector<1024x2048xi32>
      %eq3A_77 = vector.broadcast %get3A_67 : vector<1024x1xi32> to vector<1024x2048xi32>
      %eq3A_78 = arith.cmpi eq, %eq3A_76, %eq3A_77 : vector<1024x2048xi32>
      %jit3A_79 = arith.constant -1 : i32
      %broadcast_in_dim3A_80 = vector.shape_cast %add3A_12 : vector<1x2048xi32> to vector<1x2048xi32>
      %broadcast_in_dim3A_81 = vector.broadcast %broadcast_in_dim3A_80 : vector<1x2048xi32> to vector<1024x2048xi32>
      %broadcast_in_dim3A_82 = vector.broadcast %jit3A_79 : i32 to vector<1024x2048xi32>
      %select_n3A_83 = arith.select %eq3A_78, %broadcast_in_dim3A_81, %broadcast_in_dim3A_82 : vector<1024x2048xi1>, vector<1024x2048xi32>
      %reduce_max3A_84 = arith.constant dense<-2147483648> : vector<1024xi32>
      %reduce_max3A_85 = vector.multi_reduction <maxsi>, %select_n3A_75, %reduce_max3A_84 [1] : vector<1024x2048xi32> to vector<1024xi32>
      %broadcast_in_dim3A_86 = vector.shape_cast %reduce_max3A_85 : vector<1024xi32> to vector<1024x1xi32>
      %reduce_max3A_87 = arith.constant dense<-2147483648> : vector<1024xi32>
      %reduce_max3A_88 = vector.multi_reduction <maxsi>, %select_n3A_83, %reduce_max3A_87 [1] : vector<1024x2048xi32> to vector<1024xi32>
      %broadcast_in_dim3A_89 = vector.shape_cast %reduce_max3A_88 : vector<1024xi32> to vector<1024x1xi32>
      %max3A_90 = arith.maxsi %broadcast_in_dim3A_86, %broadcast_in_dim3A_89 : vector<1024x1xi32>
      %eq3A_91 = vector.broadcast %add3A : vector<1x2048xi32> to vector<1024x2048xi32>
      %eq3A_92 = vector.broadcast %max3A_90 : vector<1024x1xi32> to vector<1024x2048xi32>
      %eq3A_93 = arith.cmpi eq, %eq3A_91, %eq3A_92 : vector<1024x2048xi32>
      %convert_element_type3A_94 = arith.extui %eq3A_93 : vector<1024x2048xi1> to vector<1024x2048xi32>
      %convert_element_type3A_95 = arith.sitofp %convert_element_type3A_94 : vector<1024x2048xi32> to vector<1024x2048xf32>
      %convert_element_type3A_96 = arith.truncf %convert_element_type3A_95 : vector<1024x2048xf32> to vector<1024x2048xbf16>
      %eq3A_97 = vector.broadcast %add3A_12 : vector<1x2048xi32> to vector<1024x2048xi32>
      %eq3A_98 = vector.broadcast %max3A_90 : vector<1024x1xi32> to vector<1024x2048xi32>
      %eq3A_99 = arith.cmpi eq, %eq3A_97, %eq3A_98 : vector<1024x2048xi32>
      %convert_element_type3A_100 = arith.extui %eq3A_99 : vector<1024x2048xi1> to vector<1024x2048xi32>
      %convert_element_type3A_101 = arith.sitofp %convert_element_type3A_100 : vector<1024x2048xi32> to vector<1024x2048xf32>
      %convert_element_type3A_102 = arith.truncf %convert_element_type3A_101 : vector<1024x2048xf32> to vector<1024x2048xbf16>
      %dot_general3A_103 = arith.constant dense<0.000000e+00> : vector<1024x64xf32>
      %dot_general3A_104 = tpu.matmul %convert_element_type3A_96, %get3A_23, %dot_general3A_103 {dimension_numbers = #tpu.dot_dimension_numbers<[1], [0], [0], [1], [0, 0, 1, 1], [], []>, transpose_lhs_hint = false} : vector<1024x2048xbf16>, vector<2048x64xbf16>, vector<1024x64xf32> -> vector<1024x64xf32>
      %dot_general3A_105 = arith.constant dense<0.000000e+00> : vector<1024x64xf32>
      %dot_general3A_106 = tpu.matmul %convert_element_type3A_102, %get3A_28, %dot_general3A_105 {dimension_numbers = #tpu.dot_dimension_numbers<[1], [0], [0], [1], [0, 0, 1, 1], [], []>, transpose_lhs_hint = false} : vector<1024x2048xbf16>, vector<2048x64xbf16>, vector<1024x64xf32> -> vector<1024x64xf32>
      %add3A_107 = arith.addf %dot_general3A_104, %dot_general3A_106 : vector<1024x64xf32>
      %get3A_108 = arith.constant 0 : index
      %get3A_109 = arith.constant 0 : index
      %get3A_110 = vector.load %arg7[%get3A_108, %get3A_109] : memref<1024x64xf32, #tpu.memory_space<vmem>>, vector<1024x64xf32>
      %get3A_111 = arith.constant 0 : index
      %get3A_112 = arith.constant 0 : index
      %get3A_113 = vector.load %arg25[%get3A_111, %get3A_112] : memref<64x192xf32, #tpu.memory_space<vmem>>, vector<64x192xf32>
      %dot_general3A_114 = arith.constant dense<0.000000e+00> : vector<1024x192xf32>
      %dot_general3A_115 = tpu.matmul %add3A_64, %get3A_113, %dot_general3A_114 {dimension_numbers = #tpu.dot_dimension_numbers<[1], [0], [0], [1], [0, 0, 1, 1], [], []>, transpose_lhs_hint = false} : vector<1024x64xf32>, vector<64x192xf32>, vector<1024x192xf32> -> vector<1024x192xf32>
      %get3A_116 = arith.constant 0 : index
      %get3A_117 = arith.constant 0 : index
      %get3A_118 = vector.load %arg27[%get3A_116, %get3A_117] : memref<1x192xf32, #tpu.memory_space<vmem>>, vector<1x192xf32>
      %add3A_119 = vector.broadcast %get3A_118 : vector<1x192xf32> to vector<1024x192xf32>
      %add3A_120 = arith.addf %dot_general3A_115, %add3A_119 : vector<1024x192xf32>
      %get3A_121 = arith.constant 0 : index
      %get3A_122 = arith.constant 0 : index
      %get3A_123 = vector.load %arg26[%get3A_121, %get3A_122] : memref<64x192xf32, #tpu.memory_space<vmem>>, vector<64x192xf32>
      %dot_general3A_124 = arith.constant dense<0.000000e+00> : vector<1024x192xf32>
      %dot_general3A_125 = tpu.matmul %get3A_110, %get3A_123, %dot_general3A_124 {dimension_numbers = #tpu.dot_dimension_numbers<[1], [0], [0], [1], [0, 0, 1, 1], [], []>, transpose_lhs_hint = false} : vector<1024x64xf32>, vector<64x192xf32>, vector<1024x192xf32> -> vector<1024x192xf32>
      %get3A_126 = arith.constant 0 : index
      %get3A_127 = arith.constant 0 : index
      %get3A_128 = vector.load %arg28[%get3A_126, %get3A_127] : memref<1x192xf32, #tpu.memory_space<vmem>>, vector<1x192xf32>
      %add3A_129 = vector.broadcast %get3A_128 : vector<1x192xf32> to vector<1024x192xf32>
      %add3A_130 = arith.addf %dot_general3A_125, %add3A_129 : vector<1024x192xf32>
      %slice3A = vector.extract_strided_slice %add3A_120 {offsets = [0, 0], sizes = [1024, 64], strides = [1, 1]} : vector<1024x192xf32> to vector<1024x64xf32>
      %slice3A_131 = vector.extract_strided_slice %add3A_130 {offsets = [0, 0], sizes = [1024, 64], strides = [1, 1]} : vector<1024x192xf32> to vector<1024x64xf32>
      %add3A_132 = arith.addf %slice3A, %slice3A_131 : vector<1024x64xf32>
      %neg3A = arith.constant 0.000000e+00 : f32
      %neg3A_133 = vector.broadcast %neg3A : f32 to vector<1024x64xf32>
      %neg3A_134 = arith.subf %neg3A_133, %add3A_132 : vector<1024x64xf32>
      %exp3A = math.exp %neg3A_134 : vector<1024x64xf32>
      %add3A_135 = arith.constant 1.000000e+00 : f32
      %add3A_136 = vector.broadcast %add3A_135 : f32 to vector<1024x64xf32>
      %add3A_137 = arith.addf %add3A_136, %exp3A : vector<1024x64xf32>
      %div3A = arith.constant 1.000000e+00 : f32
      %div3A_138 = vector.broadcast %div3A : f32 to vector<1024x64xf32>
      %div3A_139 = arith.divf %div3A_138, %add3A_137 : vector<1024x64xf32>
      %slice3A_140 = vector.extract_strided_slice %add3A_120 {offsets = [0, 64], sizes = [1024, 64], strides = [1, 1]} : vector<1024x192xf32> to vector<1024x64xf32>
      %slice3A_141 = vector.extract_strided_slice %add3A_130 {offsets = [0, 64], sizes = [1024, 64], strides = [1, 1]} : vector<1024x192xf32> to vector<1024x64xf32>
      %add3A_142 = arith.addf %slice3A_140, %slice3A_141 : vector<1024x64xf32>
      %neg3A_143 = arith.constant 0.000000e+00 : f32
      %neg3A_144 = vector.broadcast %neg3A_143 : f32 to vector<1024x64xf32>
      %neg3A_145 = arith.subf %neg3A_144, %add3A_142 : vector<1024x64xf32>
      %exp3A_146 = math.exp %neg3A_145 : vector<1024x64xf32>
      %add3A_147 = arith.constant 1.000000e+00 : f32
      %add3A_148 = vector.broadcast %add3A_147 : f32 to vector<1024x64xf32>
      %add3A_149 = arith.addf %add3A_148, %exp3A_146 : vector<1024x64xf32>
      %div3A_150 = arith.constant 1.000000e+00 : f32
      %div3A_151 = vector.broadcast %div3A_150 : f32 to vector<1024x64xf32>
      %div3A_152 = arith.divf %div3A_151, %add3A_149 : vector<1024x64xf32>
      %slice3A_153 = vector.extract_strided_slice %add3A_120 {offsets = [0, 128], sizes = [1024, 64], strides = [1, 1]} : vector<1024x192xf32> to vector<1024x64xf32>
      %slice3A_154 = vector.extract_strided_slice %add3A_130 {offsets = [0, 128], sizes = [1024, 64], strides = [1, 1]} : vector<1024x192xf32> to vector<1024x64xf32>
      %mul3A_155 = arith.mulf %div3A_139, %slice3A_154 : vector<1024x64xf32>
      %add3A_156 = arith.addf %slice3A_153, %mul3A_155 : vector<1024x64xf32>
      %tanh3A = math.tanh %add3A_156 : vector<1024x64xf32>
      %sub3A = arith.constant 1.000000e+00 : f32
      %sub3A_157 = vector.broadcast %sub3A : f32 to vector<1024x64xf32>
      %sub3A_158 = arith.subf %sub3A_157, %div3A_152 : vector<1024x64xf32>
      %mul3A_159 = arith.mulf %sub3A_158, %tanh3A : vector<1024x64xf32>
      %mul3A_160 = arith.mulf %div3A_152, %get3A_110 : vector<1024x64xf32>
      %add3A_161 = arith.addf %mul3A_159, %mul3A_160 : vector<1024x64xf32>
      %get3A_162 = arith.constant 0 : index
      %get3A_163 = arith.constant 0 : index
      %get3A_164 = vector.load %arg8[%get3A_162, %get3A_163] : memref<1024x64xf32, #tpu.memory_space<vmem>>, vector<1024x64xf32>
      %get3A_165 = arith.constant 0 : index
      %get3A_166 = arith.constant 0 : index
      %get3A_167 = vector.load %arg25[%get3A_165, %get3A_166] : memref<64x192xf32, #tpu.memory_space<vmem>>, vector<64x192xf32>
      %dot_general3A_168 = arith.constant dense<0.000000e+00> : vector<1024x192xf32>
      %dot_general3A_169 = tpu.matmul %add3A_107, %get3A_167, %dot_general3A_168 {dimension_numbers = #tpu.dot_dimension_numbers<[1], [0], [0], [1], [0, 0, 1, 1], [], []>, transpose_lhs_hint = false} : vector<1024x64xf32>, vector<64x192xf32>, vector<1024x192xf32> -> vector<1024x192xf32>
      %get3A_170 = arith.constant 0 : index
      %get3A_171 = arith.constant 0 : index
      %get3A_172 = vector.load %arg27[%get3A_170, %get3A_171] : memref<1x192xf32, #tpu.memory_space<vmem>>, vector<1x192xf32>
      %add3A_173 = vector.broadcast %get3A_172 : vector<1x192xf32> to vector<1024x192xf32>
      %add3A_174 = arith.addf %dot_general3A_169, %add3A_173 : vector<1024x192xf32>
      %get3A_175 = arith.constant 0 : index
      %get3A_176 = arith.constant 0 : index
      %get3A_177 = vector.load %arg26[%get3A_175, %get3A_176] : memref<64x192xf32, #tpu.memory_space<vmem>>, vector<64x192xf32>
      %dot_general3A_178 = arith.constant dense<0.000000e+00> : vector<1024x192xf32>
      %dot_general3A_179 = tpu.matmul %get3A_164, %get3A_177, %dot_general3A_178 {dimension_numbers = #tpu.dot_dimension_numbers<[1], [0], [0], [1], [0, 0, 1, 1], [], []>, transpose_lhs_hint = false} : vector<1024x64xf32>, vector<64x192xf32>, vector<1024x192xf32> -> vector<1024x192xf32>
      %get3A_180 = arith.constant 0 : index
      %get3A_181 = arith.constant 0 : index
      %get3A_182 = vector.load %arg28[%get3A_180, %get3A_181] : memref<1x192xf32, #tpu.memory_space<vmem>>, vector<1x192xf32>
      %add3A_183 = vector.broadcast %get3A_182 : vector<1x192xf32> to vector<1024x192xf32>
      %add3A_184 = arith.addf %dot_general3A_179, %add3A_183 : vector<1024x192xf32>
      %slice3A_185 = vector.extract_strided_slice %add3A_174 {offsets = [0, 0], sizes = [1024, 64], strides = [1, 1]} : vector<1024x192xf32> to vector<1024x64xf32>
      %slice3A_186 = vector.extract_strided_slice %add3A_184 {offsets = [0, 0], sizes = [1024, 64], strides = [1, 1]} : vector<1024x192xf32> to vector<1024x64xf32>
      %add3A_187 = arith.addf %slice3A_185, %slice3A_186 : vector<1024x64xf32>
      %neg3A_188 = arith.constant 0.000000e+00 : f32
      %neg3A_189 = vector.broadcast %neg3A_188 : f32 to vector<1024x64xf32>
      %neg3A_190 = arith.subf %neg3A_189, %add3A_187 : vector<1024x64xf32>
      %exp3A_191 = math.exp %neg3A_190 : vector<1024x64xf32>
      %add3A_192 = arith.constant 1.000000e+00 : f32
      %add3A_193 = vector.broadcast %add3A_192 : f32 to vector<1024x64xf32>
      %add3A_194 = arith.addf %add3A_193, %exp3A_191 : vector<1024x64xf32>
      %div3A_195 = arith.constant 1.000000e+00 : f32
      %div3A_196 = vector.broadcast %div3A_195 : f32 to vector<1024x64xf32>
      %div3A_197 = arith.divf %div3A_196, %add3A_194 : vector<1024x64xf32>
      %slice3A_198 = vector.extract_strided_slice %add3A_174 {offsets = [0, 64], sizes = [1024, 64], strides = [1, 1]} : vector<1024x192xf32> to vector<1024x64xf32>
      %slice3A_199 = vector.extract_strided_slice %add3A_184 {offsets = [0, 64], sizes = [1024, 64], strides = [1, 1]} : vector<1024x192xf32> to vector<1024x64xf32>
      %add3A_200 = arith.addf %slice3A_198, %slice3A_199 : vector<1024x64xf32>
      %neg3A_201 = arith.constant 0.000000e+00 : f32
      %neg3A_202 = vector.broadcast %neg3A_201 : f32 to vector<1024x64xf32>
      %neg3A_203 = arith.subf %neg3A_202, %add3A_200 : vector<1024x64xf32>
      %exp3A_204 = math.exp %neg3A_203 : vector<1024x64xf32>
      %add3A_205 = arith.constant 1.000000e+00 : f32
      %add3A_206 = vector.broadcast %add3A_205 : f32 to vector<1024x64xf32>
      %add3A_207 = arith.addf %add3A_206, %exp3A_204 : vector<1024x64xf32>
      %div3A_208 = arith.constant 1.000000e+00 : f32
      %div3A_209 = vector.broadcast %div3A_208 : f32 to vector<1024x64xf32>
      %div3A_210 = arith.divf %div3A_209, %add3A_207 : vector<1024x64xf32>
      %slice3A_211 = vector.extract_strided_slice %add3A_174 {offsets = [0, 128], sizes = [1024, 64], strides = [1, 1]} : vector<1024x192xf32> to vector<1024x64xf32>
      %slice3A_212 = vector.extract_strided_slice %add3A_184 {offsets = [0, 128], sizes = [1024, 64], strides = [1, 1]} : vector<1024x192xf32> to vector<1024x64xf32>
      %mul3A_213 = arith.mulf %div3A_197, %slice3A_212 : vector<1024x64xf32>
      %add3A_214 = arith.addf %slice3A_211, %mul3A_213 : vector<1024x64xf32>
      %tanh3A_215 = math.tanh %add3A_214 : vector<1024x64xf32>
      %sub3A_216 = arith.constant 1.000000e+00 : f32
      %sub3A_217 = vector.broadcast %sub3A_216 : f32 to vector<1024x64xf32>
      %sub3A_218 = arith.subf %sub3A_217, %div3A_210 : vector<1024x64xf32>
      %mul3A_219 = arith.mulf %sub3A_218, %tanh3A_215 : vector<1024x64xf32>
      %mul3A_220 = arith.mulf %div3A_210, %get3A_164 : vector<1024x64xf32>
      %add3A_221 = arith.addf %mul3A_219, %mul3A_220 : vector<1024x64xf32>
      %get3A_222 = arith.constant 0 : index
      %get3A_223 = arith.constant 0 : index
      %get3A_224 = vector.load %arg9[%get3A_222, %get3A_223] : memref<1024x64xf32, #tpu.memory_space<vmem>>, vector<1024x64xf32>
      %get3A_225 = arith.constant 0 : index
      %get3A_226 = arith.constant 0 : index
      %get3A_227 = vector.load %arg13[%get3A_225, %get3A_226] : memref<1024x32xf32, #tpu.memory_space<vmem>>, vector<1024x32xf32>
      %get3A_228 = arith.constant 0 : index
      %get3A_229 = arith.constant 0 : index
      %get3A_230 = vector.load %arg11[%get3A_228, %get3A_229] : memref<1024x64xf32, #tpu.memory_space<vmem>>, vector<1024x64xf32>
      %concatenate3A = tpu.concatenate %add3A_161, %get3A_224, %get3A_227, %get3A_230 in 1 : vector<1024x64xf32>, vector<1024x64xf32>, vector<1024x32xf32>, vector<1024x64xf32> -> vector<1024x224xf32>
      %get3A_231 = arith.constant 0 : index
      %get3A_232 = arith.constant 0 : index
      %get3A_233 = vector.load %arg10[%get3A_231, %get3A_232] : memref<1024x64xf32, #tpu.memory_space<vmem>>, vector<1024x64xf32>
      %get3A_234 = arith.constant 0 : index
      %get3A_235 = arith.constant 0 : index
      %get3A_236 = vector.load %arg14[%get3A_234, %get3A_235] : memref<1024x32xf32, #tpu.memory_space<vmem>>, vector<1024x32xf32>
      %get3A_237 = arith.constant 0 : index
      %get3A_238 = arith.constant 0 : index
      %get3A_239 = vector.load %arg12[%get3A_237, %get3A_238] : memref<1024x64xf32, #tpu.memory_space<vmem>>, vector<1024x64xf32>
      %concatenate3A_240 = tpu.concatenate %add3A_221, %get3A_233, %get3A_236, %get3A_239 in 1 : vector<1024x64xf32>, vector<1024x64xf32>, vector<1024x32xf32>, vector<1024x64xf32> -> vector<1024x224xf32>
      %convert_element_type3A_241 = arith.truncf %concatenate3A : vector<1024x224xf32> to vector<1024x224xbf16>
      %get3A_242 = arith.constant 0 : index
      %get3A_243 = arith.constant 0 : index
      %get3A_244 = vector.load %arg29[%get3A_242, %get3A_243] : memref<224x256xbf16, #tpu.memory_space<vmem>>, vector<224x256xbf16>
      %dot_general3A_245 = arith.constant dense<0.000000e+00> : vector<1024x256xf32>
      %dot_general3A_246 = tpu.matmul %convert_element_type3A_241, %get3A_244, %dot_general3A_245 {dimension_numbers = #tpu.dot_dimension_numbers<[1], [0], [0], [1], [0, 0, 1, 1], [], []>, transpose_lhs_hint = false} : vector<1024x224xbf16>, vector<224x256xbf16>, vector<1024x256xf32> -> vector<1024x256xf32>
      %get3A_247 = arith.constant 0 : index
      %get3A_248 = arith.constant 0 : index
      %get3A_249 = vector.load %arg30[%get3A_247, %get3A_248] : memref<1x256xf32, #tpu.memory_space<vmem>>, vector<1x256xf32>
      %add3A_250 = vector.broadcast %get3A_249 : vector<1x256xf32> to vector<1024x256xf32>
      %add3A_251 = arith.addf %dot_general3A_246, %add3A_250 : vector<1024x256xf32>
      %max3A_252 = arith.constant 0.000000e+00 : f32
      %max3A_253 = vector.broadcast %max3A_252 : f32 to vector<1024x256xf32>
      %max3A_254 = arith.maximumf %add3A_251, %max3A_253 : vector<1024x256xf32>
      %convert_element_type3A_255 = arith.truncf %max3A_254 : vector<1024x256xf32> to vector<1024x256xbf16>
      %get3A_256 = arith.constant 0 : index
      %get3A_257 = arith.constant 0 : index
      %get3A_258 = vector.load %arg31[%get3A_256, %get3A_257] : memref<256x256xbf16, #tpu.memory_space<vmem>>, vector<256x256xbf16>
      %dot_general3A_259 = arith.constant dense<0.000000e+00> : vector<1024x256xf32>
      %dot_general3A_260 = tpu.matmul %convert_element_type3A_255, %get3A_258, %dot_general3A_259 {dimension_numbers = #tpu.dot_dimension_numbers<[1], [0], [0], [1], [0, 0, 1, 1], [], []>, transpose_lhs_hint = false} : vector<1024x256xbf16>, vector<256x256xbf16>, vector<1024x256xf32> -> vector<1024x256xf32>
      %get3A_261 = arith.constant 0 : index
      %get3A_262 = arith.constant 0 : index
      %get3A_263 = vector.load %arg32[%get3A_261, %get3A_262] : memref<1x256xf32, #tpu.memory_space<vmem>>, vector<1x256xf32>
      %add3A_264 = vector.broadcast %get3A_263 : vector<1x256xf32> to vector<1024x256xf32>
      %add3A_265 = arith.addf %dot_general3A_260, %add3A_264 : vector<1024x256xf32>
      %convert_element_type3A_266 = arith.truncf %concatenate3A_240 : vector<1024x224xf32> to vector<1024x224xbf16>
      %get3A_267 = arith.constant 0 : index
      %get3A_268 = arith.constant 0 : index
      %get3A_269 = vector.load %arg29[%get3A_267, %get3A_268] : memref<224x256xbf16, #tpu.memory_space<vmem>>, vector<224x256xbf16>
      %dot_general3A_270 = arith.constant dense<0.000000e+00> : vector<1024x256xf32>
      %dot_general3A_271 = tpu.matmul %convert_element_type3A_266, %get3A_269, %dot_general3A_270 {dimension_numbers = #tpu.dot_dimension_numbers<[1], [0], [0], [1], [0, 0, 1, 1], [], []>, transpose_lhs_hint = false} : vector<1024x224xbf16>, vector<224x256xbf16>, vector<1024x256xf32> -> vector<1024x256xf32>
      %get3A_272 = arith.constant 0 : index
      %get3A_273 = arith.constant 0 : index
      %get3A_274 = vector.load %arg30[%get3A_272, %get3A_273] : memref<1x256xf32, #tpu.memory_space<vmem>>, vector<1x256xf32>
      %add3A_275 = vector.broadcast %get3A_274 : vector<1x256xf32> to vector<1024x256xf32>
      %add3A_276 = arith.addf %dot_general3A_271, %add3A_275 : vector<1024x256xf32>
      %max3A_277 = arith.constant 0.000000e+00 : f32
      %max3A_278 = vector.broadcast %max3A_277 : f32 to vector<1024x256xf32>
      %max3A_279 = arith.maximumf %add3A_276, %max3A_278 : vector<1024x256xf32>
      %convert_element_type3A_280 = arith.truncf %max3A_279 : vector<1024x256xf32> to vector<1024x256xbf16>
      %get3A_281 = arith.constant 0 : index
      %get3A_282 = arith.constant 0 : index
      %get3A_283 = vector.load %arg31[%get3A_281, %get3A_282] : memref<256x256xbf16, #tpu.memory_space<vmem>>, vector<256x256xbf16>
      %dot_general3A_284 = arith.constant dense<0.000000e+00> : vector<1024x256xf32>
      %dot_general3A_285 = tpu.matmul %convert_element_type3A_280, %get3A_283, %dot_general3A_284 {dimension_numbers = #tpu.dot_dimension_numbers<[1], [0], [0], [1], [0, 0, 1, 1], [], []>, transpose_lhs_hint = false} : vector<1024x256xbf16>, vector<256x256xbf16>, vector<1024x256xf32> -> vector<1024x256xf32>
      %get3A_286 = arith.constant 0 : index
      %get3A_287 = arith.constant 0 : index
      %get3A_288 = vector.load %arg32[%get3A_286, %get3A_287] : memref<1x256xf32, #tpu.memory_space<vmem>>, vector<1x256xf32>
      %add3A_289 = vector.broadcast %get3A_288 : vector<1x256xf32> to vector<1024x256xf32>
      %add3A_290 = arith.addf %dot_general3A_285, %add3A_289 : vector<1024x256xf32>
      %get3A_291 = arith.constant 0 : index
      %get3A_292 = arith.constant 0 : index
      %get3A_293 = vector.load %arg15[%get3A_291, %get3A_292] : memref<1024x16xf32, #tpu.memory_space<vmem>>, vector<1024x16xf32>
      %concatenate3A_294 = tpu.concatenate %add3A_265, %add3A_290, %get3A_293 in 1 : vector<1024x256xf32>, vector<1024x256xf32>, vector<1024x16xf32> -> vector<1024x528xf32>
      %get3A_295 = arith.constant 0 : index
      %get3A_296 = arith.constant 0 : index
      %get3A_297 = vector.load %arg33[%get3A_295, %get3A_296] : memref<528x1xf32, #tpu.memory_space<vmem>>, vector<528x1xf32>
      %dot_general3A_298 = arith.constant dense<0.000000e+00> : vector<1024x1xf32>
      %dot_general3A_299 = tpu.matmul %concatenate3A_294, %get3A_297, %dot_general3A_298 {dimension_numbers = #tpu.dot_dimension_numbers<[1], [0], [0], [1], [0, 0, 1, 1], [], []>, transpose_lhs_hint = false} : vector<1024x528xf32>, vector<528x1xf32>, vector<1024x1xf32> -> vector<1024x1xf32>
      %get3A_300 = arith.constant 0 : index
      %get3A_301 = arith.constant 0 : index
      %get3A_302 = vector.load %arg34[%get3A_300, %get3A_301] : memref<1x1xf32, #tpu.memory_space<vmem>>, vector<1x1xf32>
      %add3A_303 = vector.broadcast %get3A_302 : vector<1x1xf32> to vector<1024x1xf32>
      %add3A_304 = arith.addf %dot_general3A_299, %add3A_303 : vector<1024x1xf32>
      %swap3A = arith.constant 0 : index
      %swap3A_305 = arith.constant 0 : index
      %swap3A_306 = vector.load %arg35[%swap3A, %swap3A_305] : memref<1024x1xf32, #tpu.memory_space<vmem>>, vector<1024x1xf32>
      tpu.vector_store %arg35[%swap3A, %swap3A_305], %add3A_304 {strides = array<i32>} : memref<1024x1xf32, #tpu.memory_space<vmem>>, vector<1024x1xf32>,
    } else {
    }
    return
  }
  func.func @transform_0(%arg0: i32) -> (i32, i32) {
    %lt3A = arith.constant 4 : i32
    %lt3A_0 = arith.cmpi slt, %arg0, %lt3A : i32
    %jit3A = arith.constant 0 : i32
    %select_n3A = arith.select %lt3A_0, %arg0, %jit3A : i32
    %c0_i32 = arith.constant 0 : i32
    %c0_i32_1 = arith.constant 0 : i32
    return %select_n3A, %c0_i32 : i32, i32
  }
  func.func @transform_1(%arg0: i32) -> (i32, i32) {
    %lt3A = arith.constant 4 : i32
    %lt3A_0 = arith.cmpi slt, %arg0, %lt3A : i32
    %jit3A = arith.constant 0 : i32
    %select_n3A = arith.select %lt3A_0, %arg0, %jit3A : i32
    %c0_i32 = arith.constant 0 : i32
    %c0_i32_1 = arith.constant 0 : i32
    return %select_n3A, %c0_i32 : i32, i32
  }
  func.func @transform_2(%arg0: i32) -> (i32, i32) {
    %lt3A = arith.constant 4 : i32
    %lt3A_0 = arith.cmpi slt, %arg0, %lt3A : i32
    %jit3A = arith.constant 0 : i32
    %select_n3A = arith.select %lt3A_0, %arg0, %jit3A : i32
    %c0_i32 = arith.constant 0 : i32
    %c0_i32_1 = arith.constant 0 : i32
    return %select_n3A, %c0_i32 : i32, i32
  }
  func.func @transform_3(%arg0: i32) -> (i32, i32) {
    %lt3A = arith.constant 4 : i32
    %lt3A_0 = arith.cmpi slt, %arg0, %lt3A : i32
    %jit3A = arith.constant 0 : i32
    %select_n3A = arith.select %lt3A_0, %arg0, %jit3A : i32
    %c0_i32 = arith.constant 0 : i32
    %c0_i32_1 = arith.constant 0 : i32
    return %select_n3A, %c0_i32 : i32, i32
  }
  func.func @transform_4(%arg0: i32) -> (i32, i32) {
    %lt3A = arith.constant 4 : i32
    %lt3A_0 = arith.cmpi slt, %arg0, %lt3A : i32
    %sub3A = arith.constant 4 : i32
    %sub3A_1 = arith.subi %arg0, %sub3A : i32
    %jit3A = arith.constant 0 : i32
    %select_n3A = arith.select %lt3A_0, %jit3A, %sub3A_1 : i32
    %c0_i32 = arith.constant 0 : i32
    %c0_i32_2 = arith.constant 0 : i32
    return %select_n3A, %c0_i32 : i32, i32
  }
  func.func @transform_5(%arg0: i32) -> (i32, i32) {
    %lt3A = arith.constant 4 : i32
    %lt3A_0 = arith.cmpi slt, %arg0, %lt3A : i32
    %sub3A = arith.constant 4 : i32
    %sub3A_1 = arith.subi %arg0, %sub3A : i32
    %jit3A = arith.constant 0 : i32
    %select_n3A = arith.select %lt3A_0, %jit3A, %sub3A_1 : i32
    %c0_i32 = arith.constant 0 : i32
    %c0_i32_2 = arith.constant 0 : i32
    return %select_n3A, %c0_i32 : i32, i32
  }
  func.func @transform_6(%arg0: i32) -> (i32, i32) {
    %lt3A = arith.constant 4 : i32
    %lt3A_0 = arith.cmpi slt, %arg0, %lt3A : i32
    %sub3A = arith.constant 4 : i32
    %sub3A_1 = arith.subi %arg0, %sub3A : i32
    %jit3A = arith.constant 0 : i32
    %select_n3A = arith.select %lt3A_0, %jit3A, %sub3A_1 : i32
    %c0_i32 = arith.constant 0 : i32
    %c0_i32_2 = arith.constant 0 : i32
    return %select_n3A, %c0_i32 : i32, i32
  }
  func.func @transform_7(%arg0: i32) -> (i32, i32) {
    %lt3A = arith.constant 4 : i32
    %lt3A_0 = arith.cmpi slt, %arg0, %lt3A : i32
    %sub3A = arith.constant 4 : i32
    %sub3A_1 = arith.subi %arg0, %sub3A : i32
    %jit3A = arith.constant 0 : i32
    %select_n3A = arith.select %lt3A_0, %jit3A, %sub3A_1 : i32
    %c0_i32 = arith.constant 0 : i32
    %c0_i32_2 = arith.constant 0 : i32
    return %select_n3A, %c0_i32 : i32, i32
  }
  func.func @transform_8(%arg0: i32) -> (i32, i32) {
    %lt3A = arith.constant 4 : i32
    %lt3A_0 = arith.cmpi slt, %arg0, %lt3A : i32
    %sub3A = arith.constant 4 : i32
    %sub3A_1 = arith.subi %arg0, %sub3A : i32
    %jit3A = arith.constant 0 : i32
    %select_n3A = arith.select %lt3A_0, %jit3A, %sub3A_1 : i32
    %c0_i32 = arith.constant 0 : i32
    %c0_i32_2 = arith.constant 0 : i32
    return %select_n3A, %c0_i32 : i32, i32
  }
  func.func @transform_9(%arg0: i32) -> (i32, i32) {
    %lt3A = arith.constant 4 : i32
    %lt3A_0 = arith.cmpi slt, %arg0, %lt3A : i32
    %sub3A = arith.constant 4 : i32
    %sub3A_1 = arith.subi %arg0, %sub3A : i32
    %jit3A = arith.constant 0 : i32
    %select_n3A = arith.select %lt3A_0, %jit3A, %sub3A_1 : i32
    %c0_i32 = arith.constant 0 : i32
    %c0_i32_2 = arith.constant 0 : i32
    return %select_n3A, %c0_i32 : i32, i32
  }
  func.func @transform_10(%arg0: i32) -> (i32, i32) {
    %lt3A = arith.constant 4 : i32
    %lt3A_0 = arith.cmpi slt, %arg0, %lt3A : i32
    %sub3A = arith.constant 4 : i32
    %sub3A_1 = arith.subi %arg0, %sub3A : i32
    %jit3A = arith.constant 0 : i32
    %select_n3A = arith.select %lt3A_0, %jit3A, %sub3A_1 : i32
    %c0_i32 = arith.constant 0 : i32
    %c0_i32_2 = arith.constant 0 : i32
    return %select_n3A, %c0_i32 : i32, i32
  }
  func.func @transform_11(%arg0: i32) -> (i32, i32) {
    %lt3A = arith.constant 4 : i32
    %lt3A_0 = arith.cmpi slt, %arg0, %lt3A : i32
    %sub3A = arith.constant 4 : i32
    %sub3A_1 = arith.subi %arg0, %sub3A : i32
    %jit3A = arith.constant 0 : i32
    %select_n3A = arith.select %lt3A_0, %jit3A, %sub3A_1 : i32
    %c0_i32 = arith.constant 0 : i32
    %c0_i32_2 = arith.constant 0 : i32
    return %select_n3A, %c0_i32 : i32, i32
  }
  func.func @transform_12(%arg0: i32) -> (i32, i32) {
    %lt3A = arith.constant 4 : i32
    %lt3A_0 = arith.cmpi slt, %arg0, %lt3A : i32
    %sub3A = arith.constant 4 : i32
    %sub3A_1 = arith.subi %arg0, %sub3A : i32
    %jit3A = arith.constant 0 : i32
    %select_n3A = arith.select %lt3A_0, %jit3A, %sub3A_1 : i32
    %c0_i32 = arith.constant 0 : i32
    %c0_i32_2 = arith.constant 0 : i32
    return %select_n3A, %c0_i32 : i32, i32
  }
  func.func @transform_13(%arg0: i32) -> (i32, i32) {
    %lt3A = arith.constant 4 : i32
    %lt3A_0 = arith.cmpi slt, %arg0, %lt3A : i32
    %sub3A = arith.constant 4 : i32
    %sub3A_1 = arith.subi %arg0, %sub3A : i32
    %jit3A = arith.constant 0 : i32
    %select_n3A = arith.select %lt3A_0, %jit3A, %sub3A_1 : i32
    %c0_i32 = arith.constant 0 : i32
    %c0_i32_2 = arith.constant 0 : i32
    return %select_n3A, %c0_i32 : i32, i32
  }
  func.func @transform_14(%arg0: i32) -> (i32, i32) {
    %lt3A = arith.constant 4 : i32
    %lt3A_0 = arith.cmpi slt, %arg0, %lt3A : i32
    %sub3A = arith.constant 4 : i32
    %sub3A_1 = arith.subi %arg0, %sub3A : i32
    %jit3A = arith.constant 0 : i32
    %select_n3A = arith.select %lt3A_0, %jit3A, %sub3A_1 : i32
    %c0_i32 = arith.constant 0 : i32
    %c0_i32_2 = arith.constant 0 : i32
    return %select_n3A, %c0_i32 : i32, i32
  }
  func.func @transform_15(%arg0: i32) -> (i32, i32) {
    %c0_i32 = arith.constant 0 : i32
    %c0_i32_0 = arith.constant 0 : i32
    %c0_i32_1 = arith.constant 0 : i32
    return %c0_i32, %c0_i32_0 : i32, i32
  }
  func.func @transform_16(%arg0: i32) -> (i32, i32) {
    %c0_i32 = arith.constant 0 : i32
    %c0_i32_0 = arith.constant 0 : i32
    %c0_i32_1 = arith.constant 0 : i32
    return %c0_i32, %c0_i32_0 : i32, i32
  }
  func.func @transform_17(%arg0: i32) -> (i32, i32) {
    %c0_i32 = arith.constant 0 : i32
    %c0_i32_0 = arith.constant 0 : i32
    %c0_i32_1 = arith.constant 0 : i32
    return %c0_i32, %c0_i32_0 : i32, i32
  }
  func.func @transform_18(%arg0: i32) -> (i32, i32) {
    %c0_i32 = arith.constant 0 : i32
    %c0_i32_0 = arith.constant 0 : i32
    %c0_i32_1 = arith.constant 0 : i32
    return %c0_i32, %c0_i32_0 : i32, i32
  }
  func.func @transform_19(%arg0: i32) -> (i32, i32) {
    %c0_i32 = arith.constant 0 : i32
    %c0_i32_0 = arith.constant 0 : i32
    %c0_i32_1 = arith.constant 0 : i32
    return %c0_i32, %c0_i32_0 : i32, i32
  }
  func.func @transform_20(%arg0: i32) -> (i32, i32) {
    %c0_i32 = arith.constant 0 : i32
    %c0_i32_0 = arith.constant 0 : i32
    %c0_i32_1 = arith.constant 0 : i32
    return %c0_i32, %c0_i32_0 : i32, i32
  }
  func.func @transform_21(%arg0: i32) -> (i32, i32) {
    %c0_i32 = arith.constant 0 : i32
    %c0_i32_0 = arith.constant 0 : i32
    %c0_i32_1 = arith.constant 0 : i32
    return %c0_i32, %c0_i32_0 : i32, i32
  }
  func.func @transform_22(%arg0: i32) -> (i32, i32) {
    %c0_i32 = arith.constant 0 : i32
    %c0_i32_0 = arith.constant 0 : i32
    %c0_i32_1 = arith.constant 0 : i32
    return %c0_i32, %c0_i32_0 : i32, i32
  }
  func.func @transform_23(%arg0: i32) -> (i32, i32) {
    %c0_i32 = arith.constant 0 : i32
    %c0_i32_0 = arith.constant 0 : i32
    %c0_i32_1 = arith.constant 0 : i32
    return %c0_i32, %c0_i32_0 : i32, i32
  }
  func.func @transform_24(%arg0: i32) -> (i32, i32) {
    %c0_i32 = arith.constant 0 : i32
    %c0_i32_0 = arith.constant 0 : i32
    %c0_i32_1 = arith.constant 0 : i32
    return %c0_i32, %c0_i32_0 : i32, i32
  }
  func.func @transform_25(%arg0: i32) -> (i32, i32) {
    %c0_i32 = arith.constant 0 : i32
    %c0_i32_0 = arith.constant 0 : i32
    %c0_i32_1 = arith.constant 0 : i32
    return %c0_i32, %c0_i32_0 : i32, i32
  }
  func.func @transform_26(%arg0: i32) -> (i32, i32) {
    %c0_i32 = arith.constant 0 : i32
    %c0_i32_0 = arith.constant 0 : i32
    %c0_i32_1 = arith.constant 0 : i32
    return %c0_i32, %c0_i32_0 : i32, i32
  }
  func.func @transform_27(%arg0: i32) -> (i32, i32) {
    %c0_i32 = arith.constant 0 : i32
    %c0_i32_0 = arith.constant 0 : i32
    %c0_i32_1 = arith.constant 0 : i32
    return %c0_i32, %c0_i32_0 : i32, i32
  }
  func.func @transform_28(%arg0: i32) -> (i32, i32) {
    %c0_i32 = arith.constant 0 : i32
    %c0_i32_0 = arith.constant 0 : i32
    %c0_i32_1 = arith.constant 0 : i32
    return %c0_i32, %c0_i32_0 : i32, i32
  }
  func.func @transform_29(%arg0: i32) -> (i32, i32) {
    %c0_i32 = arith.constant 0 : i32
    %c0_i32_0 = arith.constant 0 : i32
    %c0_i32_1 = arith.constant 0 : i32
    return %c0_i32, %c0_i32_0 : i32, i32
  }
  func.func @transform_30(%arg0: i32) -> (i32, i32) {
    %c0_i32 = arith.constant 0 : i32
    %c0_i32_0 = arith.constant 0 : i32
    %c0_i32_1 = arith.constant 0 : i32
    return %c0_i32, %c0_i32_0 : i32, i32
  }
  func.func @transform_31(%arg0: i32) -> (i32, i32) {
    %c0_i32 = arith.constant 0 : i32
    %c0_i32_0 = arith.constant 0 : i32
    %c0_i32_1 = arith.constant 0 : i32
    return %c0_i32, %c0_i32_0 : i32, i32
  }
  func.func @transform_32(%arg0: i32) -> (i32, i32) {
    %c0_i32 = arith.constant 0 : i32
    %c0_i32_0 = arith.constant 0 : i32
    %c0_i32_1 = arith.constant 0 : i32
    return %c0_i32, %c0_i32_0 : i32, i32
  }
  func.func @transform_33(%arg0: i32) -> (i32, i32) {
    %c0_i32 = arith.constant 0 : i32
    %c0_i32_0 = arith.constant 0 : i32
    %c0_i32_1 = arith.constant 0 : i32
    return %c0_i32, %c0_i32_0 : i32, i32
  }
  func.func @transform_34(%arg0: i32) -> (i32, i32) {
    %lt3A = arith.constant 4 : i32
    %lt3A_0 = arith.cmpi slt, %arg0, %lt3A : i32
    %sub3A = arith.constant 4 : i32
    %sub3A_1 = arith.subi %arg0, %sub3A : i32
    %jit3A = arith.constant 0 : i32
    %select_n3A = arith.select %lt3A_0, %jit3A, %sub3A_1 : i32
    %c0_i32 = arith.constant 0 : i32
    %c0_i32_2 = arith.constant 0 : i32
    return %select_n3A, %c0_i32 : i32, i32
  }
}

</mosaic_0001>

<sc_bundles>
// kernel: kernel.4.cloned.1.call-start
scs
__scs_entry_jumppad:
0x0: {  	(pc) =	sbr.rel $0x88, $3  }
0x1: {  	(tag) =	ssettag $0x0;
	lr =	simm.s32 $0x1  }
0x2: {  	[smem:$0x3F87] =	sst lr;
	_ =	strace $0xD0000000  }
0x3: {  	_ = 	snop  }
0x4: {  	_ = 	snop  }
0x5: {  	_ = 	snop  }
0x6: {  	_ = 	snop  }
0x7: {  	_ = 	snop  }
__scs_overlays_trampoline_lowered:
0x8: {  	[smem:$0x3F96] =	sst s0  }
0x9: {  	[smem:$0x3F97] =	sst s1  }
0xa: {  	[smem:$0x3F98] =	sst s2  }
0xb: {  	[smem:$0x3F99] =	sst s3  }
0xc: {  	[smem:$0x3F9A] =	sst s4  }
0xd: {  	[smem:$0x3F9B] =	sst s5  }
0xe: {  	[smem:$0x3F9C] =	sst s6  }
0xf: {  	[smem:$0x3F9D] =	sst s7  }
0x10: {  	[smem:$0x3F9E] =	sst s8  }
0x11: {  	[smem:$0x3F9F] =	sst s9;
	s0 =	simm.s32 @!p0 $0x0  }
0x12: {  	s1 =	sld [smem:$0x3F85];
	s0 =	simm.s32 @p0 $0x1  }
0x13: {  	[smem:$0x3FA0] =	sst s0;
	s0 =	simm.s32 @!p1 $0x0  }
0x14: {  	s2 =	sld [smem:$0x3F84];
	s0 =	simm.s32 @p1 $0x1  }
0x15: {  	[smem:$0x3FA1] =	sst s0;
	s0 =	simm.s32 @!p2 $0x0  }
0x16: {  	s3 =	sld [smem:$0x3FDB];
	s0 =	simm.s32 @p2 $0x1  }
0x17: {  	s4 =	simm.s32 $0x1BF5;
	[smem:$0x3FA3] =	sst s0  }
0x18: {  	s0 =	sld [smem:$0x3F86];
	_ =	swait.ge [sflag:s4], $0x0  }
0x19: {  	s7 =	sld [smem:$0x3F87]  }
0x1a: {  	s8 =	sadd.s32 $0xFFFFE003, lr  }
0x1b: {  	s9 =	sadd.s32 $0xFFFFFEF7, lr;
	s5 =	simm.s32 $0xFFFFFFFF;
	p2 =	slt.u32 s8, $0xFFFFF086  }
0x1c: {  	p1 =	slt.u32 s9, $0xF7A;
	s5 =	simm.s32 @!p2 $0x0  }
0x1d: {  	s5 =	simm.s32 @p1 $0x1;
	p0 =	seq.s32 s7, s2  }
0x1e: {  	s7 =	smul.u32 @!p0 $0xF7A, s2;
	p2 =	seq.s32 @!p0 s5, $0x0  }
0x1f: {  	s9 =	smul.u32 $0xF7A, s1;
	s8 =	simm.s32 @!p0 $0x1BF5;
	p2 =	por !p2, p0  }
0x20: {  	[sflag:s8] =	ssyncset.s32 @!p0 $0xFFFFF086;
	s6 =	sadd.s32 @!p0 s3, s7;
	s7 =	simm.s32 @!p0 $0x108  }
0x21: {  	s3 =	sadd.s32 s3, s9;
	s6 =	sadd.s32 @!p0 $0x88, s6;
	s7 =	simm.s32 @p2 $0x1082  }
0x22: {  	[simem:s7], [sflag:s8] =	dma.local @!p0 [hbm:s6], $0xF7A  }
0x23: {  	s9 =	sor.u32 $0xD0000000, s2;
	s6 =	simm.s32 $0x108;
	_ =	swait.ge @!p0 [sflag:s8], $0x0  }
0x24: {  	s3 =	sadd.s32 $0x88, s3;
	s6 =	simm.s32 @!p1 $0x1082;
	[sflag:s4] =	ssyncset.s32 $0xFFFFF086  }
0x25: {  	[simem:s6], [sflag:s4] =	dma.local [hbm:s3], $0xF7A  }
0x26: {  	[smem:$0x3F87] =	sst s1;
	(tag) =	ssettag s2;
	_ =	strace s9  }
0x27: {  	s1 =	sld [smem:$0x3F97]  }
0x28: {  	s2 =	sld [smem:$0x3F98]  }
0x29: {  	s4 =	sld [smem:$0x3F9A]  }
0x2a: {  	p0 =	seq.s32 s5, $0x0;
	s5 =	sld [smem:$0x3F9B]  }
0x2b: {  	s6 =	sld [smem:$0x3F9C]  }
0x2c: {  	s7 =	sld [smem:$0x3F9D]  }
0x2d: {  	s3 =	simm.s32 $0x108;
	s8 =	sld [smem:$0x3F9E]  }
0x2e: {  	s3 =	simm.s32 @!p0 $0x1082;
	s9 =	sld [smem:$0x3F9F]  }
0x2f: {  	lr =	sadd.s32 s0, s3;
	s0 =	sld [smem:$0x3F96]  }
0x30: {  	s3 =	sld [smem:$0x3F99]  }
0x31: {  	[smem:$0x3FA2] =	sst s10  }
0x32: {  	s10 =	sld [smem:$0x3FA0];
	_ =	sdelay $0x3  }
0x33: {  	p0 =	seq.s32 s10, $0x1;
	s10 =	sld [smem:$0x3FA2];
	_ =	sdelay $0x3  }
0x34: {  	[smem:$0x3FA2] =	sst s10  }
0x35: {  	s10 =	sld [smem:$0x3FA1];
	_ =	sdelay $0x3  }
0x36: {  	p1 =	seq.s32 s10, $0x1;
	s10 =	sld [smem:$0x3FA2];
	_ =	sdelay $0x3  }
0x37: {  	[smem:$0x3FA2] =	sst s10  }
0x38: {  	s10 =	sld [smem:$0x3FA3]  }
0x39: {  	_ = 	snop;
	(pc) =	sbr.ind lr, $3  }
0x3a: {  	_ = 	snop  }
0x3b: {  	_ = 	snop  }
0x3c: {  	p2 =	seq.s32 s10, $0x1;
	s10 =	sld [smem:$0x3FA2]  }
0x3d: {  	_ =	shalt  }
0x3e: {  	_ =	shalt  }
0x3f: {  	_ =	shalt  }
0x40: {  	_ =	shalt  }
0x41: {  	_ =	shalt  }
0x42: {  	_ =	shalt  }
0x43: {  	_ =	shalt  }
0x44: {  	_ =	shalt  }
0x45: {  	_ =	shalt  }
0x46: {  	_ =	shalt  }
0x47: {  	_ =	shalt  }
0x48: {  	_ =	shalt  }
0x49: {  	_ =	shalt  }
0x4a: {  	_ =	shalt  }
0x4b: {  	_ =	shalt  }
0x4c: {  	_ =	shalt  }
0x4d: {  	_ =	shalt  }
0x4e: {  	_ =	shalt  }
0x4f: {  	_ =	shalt  }
0x50: {  	_ =	shalt  }
0x51: {  	_ =	shalt  }
0x52: {  	_ =	shalt  }
0x53: {  	_ =	shalt  }
0x54: {  	_ =	shalt  }
0x55: {  	_ =	shalt  }
0x56: {  	_ =	shalt  }
0x57: {  	_ =	shalt  }
0x58: {  	_ =	shalt  }
0x59: {  	_ =	shalt  }
0x5a: {  	_ =	shalt  }
0x5b: {  	_ =	shalt  }
0x5c: {  	_ =	shalt  }
0x5d: {  	_ =	shalt  }
0x5e: {  	_ =	shalt  }
0x5f: {  	_ =	shalt  }
0x60: {  	_ =	shalt  }
0x61: {  	_ =	shalt  }
0x62: {  	_ =	shalt  }
0x63: {  	_ =	shalt  }
0x64: {  	_ =	shalt  }
0x65: {  	_ =	shalt  }
0x66: {  	_ =	shalt  }
0x67: {  	_ =	shalt  }
0x68: {  	_ =	shalt  }
0x69: {  	_ =	shalt  }
0x6a: {  	_ =	shalt  }
0x6b: {  	_ =	shalt  }
0x6c: {  	_ =	shalt  }
0x6d: {  	_ =	shalt  }
0x6e: {  	_ =	shalt  }
0x6f: {  	_ =	shalt  }
0x70: {  	_ =	shalt  }
0x71: {  	_ =	shalt  }
0x72: {  	_ =	shalt  }
0x73: {  	_ =	shalt  }
0x74: {  	_ =	shalt  }
0x75: {  	_ =	shalt  }
0x76: {  	_ =	shalt  }
0x77: {  	_ =	shalt  }
0x78: {  	_ =	shalt  }
0x79: {  	_ =	shalt  }
0x7a: {  	_ =	shalt  }
0x7b: {  	_ =	shalt  }
0x7c: {  	_ =	shalt  }
0x7d: {  	_ =	shalt  }
0x7e: {  	_ =	shalt  }
0x7f: {  	_ =	shalt  }
0x80: {  	_ =	shalt  }
0x81: {  	_ =	shalt  }
0x82: {  	_ =	shalt  }
0x83: {  	_ =	shalt  }
0x84: {  	_ =	shalt  }
0x85: {  	_ =	shalt  }
0x86: {  	_ =	shalt  }
0x87: {  	_ =	shalt  }
.Lfunc_end0:
.L_simem_size_0:
called_computation_lowered:
.L_overlay_start_0:
0x88: {  	s2 =	sld [smem:$0x3FD9]  }
0x89: {  	s3 =	sld [smem:$0x3FFE];
	_ =	sdelay $0x1  }
0x8a: {  	s1 =	srdreg.scid  }
0x8b: {  	s0 =	sand.u32 $0x1, s1  }
0x8c: {  	s17 =	sshll.u32 s0, $0xA;
	s2 =	sadd.s32 s3, s2  }
0x8d: {  	s2 =	sadd.s32 s2, s17  }
0x8e: {  	[smem:$0x3FAE] =	sst s2  }
0x8f: {  	_ = 	snop  }
0x90: {  	s2 =	sld [smem:$0x3FC9]  }
0x91: {  	s18 =	sld [smem:$0x3FC8];
	(tm) =	ssettm $0x1  }
0x92: {  	s4 =	sld [smem:$0x3FFB];
	_ =	sdelay $0x3  }
0x93: {  	_ =	strace s4  }
0x94: {  	s4 =	sld [smem:$0x3FFC];
	_ =	sdelay $0x3  }
0x95: {  	_ =	strace s4  }
0x96: {  	s4 =	sld [smem:$0x3FFD];
	_ =	sdelay $0x3  }
0x97: {  	_ =	strace s4  }
0x98: {  	_ =	strace $0x8FFFFFFF  }
0x99: {  	s19 =	sld [smem:$0x3FDB];
	_ =	sdelay $0x1  }
0x9a: {  	s5 =	simm.s32 $_scs_section_size  }
0x9b: {  	s6 =	simm.s32 $_size__tile_overlayer_lowered;
	s7 =	simm.s32 $_tile_overlayer_lowered  }
0x9c: {  	s22 =	simm.s32 $0x1BFF;
	s21 =	sshll.u32 s7, $0x1;
	s4 =	sadd.s32 s5, s19  }
0x9d: {  	s8 =	simm.s32 $0x0;
	s20 =	sshll.u32 s6, $0x1;
	s6 =	sadd.s32 s21, s4  }
0x9e: {  	[timem:s8], [sflag:s22] =	dma.local [hbm:s6], s20  }
0x9f: {  	_ =	swait.ge [sflag:s22], s20  }
0xa0: {  	s5 =	ssub.s32 $0x0, s20;
	[sflag:s22] =	ssyncset.done $0x0  }
0xa1: {  	[sflag:s22] =	ssyncadd.s32 s5;
	_ =	sdelay $0x1  }
0xa2: {  	s23 =	simm.s32 $0x1B8B  }
0xa3: {  	_ =	swait.ge [sflag:s23], $0x1  }
0xa4: {  	[sflag:s23] =	ssyncset.done $0x0  }
0xa5: {  	s25 =	simm.s32 $0x1B8E;
	s24 =	sld [smem:$0x3FFE];
	[sflag:s23] =	ssyncadd.s32 $0xFFFFFFFF  }
0xa6: {  	s26 =	simm.s32 $execute0_lowered;
	[smem:$0x3FD2] =	sst s25  }
0xa7: {  	s6 =	sshll.u32 s26, $0x1;
	_ =	strace $0x80000046;
	[dreg:$0x1] =	wrdreg $0xFFFFFFFF  }
0xa8: {  	s28 =	simm.s32 $_size_execute0_lowered;
	s4 =	sadd.s32 s4, s6;
	[dreg:$0x0] =	wrdreg $0x0  }
0xa9: {  	s6 =	sshll.u32 s28, $0x1;
	[dreg:$0x2] =	wrdreg s4  }
0xaa: {  	[dreg:$0x3] =	wrdreg s6  }
0xab: {  	[dreg:$0x4] =	wrdreg $0xC0  }
0xac: {  	_ =	task [dreg:s8], $0x5FFFF  }
0xad: {  	[dreg:$0x1] =	wrdreg $0xFFFFFFFF  }
0xae: {  	[dreg:$0x0] =	wrdreg $0x60  }
0xaf: {  	[dreg:$0x2] =	wrdreg s24  }
0xb0: {  	[dreg:$0x3] =	wrdreg s2  }
0xb1: {  	[dreg:$0x4] =	wrdreg s18  }
0xb2: {  	[dreg:$0x5] =	wrdreg $0x9  }
0xb3: {  	_ =	task.clear_ibuf [dreg:s8], $0x6FFFF;
	_ =	strace $0x90000046  }
0xb4: {  	s29 =	simm.s32 $0x9;
	_ =	strace $0x80000048  }
0xb5: {  	_ =	swait.ge [sflag:s29], $0x1  }
0xb6: {  	[sflag:s29] =	ssyncadd.s32 $0xFFFFFFFF  }
0xb7: {  	_ =	strace $0x90000048  }
0xb8: {  	_ =	sfence  }
0xb9: {  	s30 =	sld [smem:$0x0];
	_ =	sdelay $0x2  }
0xba: {  	s31 =	sshll.u32 s1, $0xD;
	s1 =	sshrl.u32 s1, $0x2  }
0xbb: {  	s3 =	sand.u32 $0x4000, s31;
	s1 =	sadd.s32 s1, s30  }
0xbc: {  	s0 =	sor.u32 s3, s0;
	s1 =	sshll.u32 s1, $0x11  }
0xbd: {  	s0 =	sor.u32 s1, s0  }
0xbe: {  	s0 =	sadd.s32 $0x8F2B, s0  }
0xbf: {  	[sflag:s0] =	ssyncadd.remote.s32 $0x1  }
0xc0: {  	_ =	sfence.sel $0xFFFF  }
0xc1: {  	[dreg:$0x0] =	wrdreg $0xFFFFFFFF;
	(pc) =	sbr.abs _section_cstart, $3  }
0xc2: {  	[dreg:$0x1] =	wrdreg $0xFFFFFFFF  }
0xc3: {  	_ =	task.clear_ibuf [dreg:s8], $0x2FFFF;
	_ =	strace $0x9FFFFFFF  }
0xc4: {  	(tm) =	ssettm $0x7FFFFFFF  }
0xc5: {  	_ =	shalt  }
tec
execute0_lowered:
.L_overlay_start_1:
0x0: {  	(tag) =	ssettag $0x1  }
0x1: {  	s16 =	rddreg [dreg:$0x0];
	s1 =	srdreg.scid  }
0x2: {  	s3 =	rddreg [dreg:$0x1];
	s0 =	stileid.u32;
	s19 =	sand.u32 $0x1, s1  }
0x3: {  	s5 =	rddreg [dreg:$0x2];
	s4 =	sshll.u32 s0, $0x7;
	s6 =	sshll.u32 s19, $0x6  }
0x4: {  	s2 =	simm.s32 $0x0;
	s1 =	rddreg [dreg:$0x3];
	s17 =	sor.u32 s6, s4  }
0x5: {  	[smem:$0x7FF] =	sst s2;
	s6 =	sshrl.u32 s17, $0x3  }
0x6: {  	_ =	strace $0x80000047;
	s4 =	simm.s32 $0x3;
	s3 =	sadd.s32 s3, s6  }
0x7: {  	[tilespmem:s2], [sflag:$0x3] =	stream.linear.gather [hbm4b:s3+s2], $0x40, $0x38;
	[tilespmem:$0x3080] =	vst v63  }
0x8: {  	_ =	swait.ge [sflag:s4], $0x40  }
0x9: {  	[sflag:s4] =	ssyncset.done $0x0  }
0xa: {  	s5 =	sadd.s32 s5, s6;
	s6 =	simm.s32 $0x40;
	[sflag:s4] =	ssyncadd.s32 $0xFFFFFFC0  }
0xb: {  	[tilespmem:s6], [sflag:$0x3] =	stream.linear.gather [hbm4b:s5+s2], $0x40, $0x38;
	[tilespmem:$0x3080] =	vst v63  }
0xc: {  	_ =	swait.ge [sflag:s4], $0x40  }
0xd: {  	[sflag:s4] =	ssyncset.done $0x0  }
0xe: {  	s8 =	simm.s32 $0x80;
	s7 =	sadd.s32 $0x3C00, s16;
	[sflag:s4] =	ssyncadd.s32 $0xFFFFFFC0  }
0xf: {  	[tilespmem:s8], [sflag:$0x1] =	stream.indirect.gather [hbm4b:s7+s6], $0x40, s2, s6, $0xb8;
	[tilespmem:$0x3080] =	vst v63  }
0x10: {  	s9 =	simm.s32 $0x1080  }
0x11: {  	[tilespmem:s9], [sflag:$0x1] =	stream.indirect.gather [hbm4b:s7+s6], $0x40, s6, s6, $0xb8;
	[tilespmem:$0x3080] =	vst v63  }
0x12: {  	s11 =	simm.s32 $0x2080;
	s10 =	sadd.s32 $0x17600, s16  }
0x13: {  	[tilespmem:s11], [sflag:$0x1] =	stream.indirect.gather [hbm4b:s10+s6], $0x20, s2, s6, $0xb8;
	[tilespmem:$0x3080] =	vst v63  }
0x14: {  	s12 =	simm.s32 $0x2880;
	s13 =	simm.s32 $0x1  }
0x15: {  	[tilespmem:s12], [sflag:$0x1] =	stream.indirect.gather [hbm4b:s10+s6], $0x20, s6, s6, $0xb8;
	[tilespmem:$0x3080] =	vst v63  }
0x16: {  	s14 =	sshll.u32 s17, $0x3;
	_ =	swait.ge [sflag:s13], $0x1000  }
0x17: {  	s15 =	sadd.s32 s14, s16;
	[sflag:s13] =	ssyncset.done $0x0  }
0x18: {  	s14 =	sadd.s32 $0x29400, s15;
	[sflag:s13] =	ssyncadd.s32 $0xFFFFF000  }
0x19: {  	[hbm4b:s14+s2] =	stream.linear.scatter [tilespmem:s8], [sflag:$0x2], $0x1000, $0x38;
	[tilespmem:$0x3080] =	vst v63  }
0x1a: {  	_ =	swait.ge [sflag:s13], $0x1000  }
0x1b: {  	[sflag:s13] =	ssyncset.done $0x0  }
0x1c: {  	s15 =	sadd.s32 $0x25400, s15;
	[sflag:s13] =	ssyncadd.s32 $0xFFFFF000  }
0x1d: {  	[hbm4b:s15+s2] =	stream.linear.scatter [tilespmem:s9], [sflag:$0x2], $0x1000, $0x38;
	[tilespmem:$0x3080] =	vst v63  }
0x1e: {  	s17 =	sshll.u32 s17, $0x2;
	_ =	swait.ge [sflag:s13], $0x800  }
0x1f: {  	s17 =	sadd.s32 s17, s16;
	[sflag:s13] =	ssyncset.done $0x0  }
0x20: {  	s16 =	sadd.s32 $0x23400, s17;
	[sflag:s13] =	ssyncadd.s32 $0xFFFFF800  }
0x21: {  	[hbm4b:s16+s2] =	stream.linear.scatter [tilespmem:s11], [sflag:$0x2], $0x800, $0x38;
	[tilespmem:$0x3080] =	vst v63  }
0x22: {  	_ =	swait.ge [sflag:s13], $0x800  }
0x23: {  	[sflag:s13] =	ssyncset.done $0x0  }
0x24: {  	s18 =	sadd.s32 $0x21400, s17;
	s17 =	simm.s32 $0x2;
	[sflag:s13] =	ssyncadd.s32 $0xFFFFF800  }
0x25: {  	[hbm4b:s18+s2] =	stream.linear.scatter [tilespmem:s12], [sflag:$0x2], $0x800, $0x38;
	[tilespmem:$0x3080] =	vst v63  }
0x26: {  	_ =	swait.ge [sflag:s17], $0x1000  }
0x27: {  	s19 =	ssub.s32 $0x2, s19;
	[sflag:s17] =	ssyncset.done $0x0  }
0x28: {  	s20 =	sshrl.u32 s19, $0x1;
	[sflag:s17] =	ssyncadd.s32 $0xFFFFF000  }
0x29: {  	s19 =	ssub.s32 s19, s20;
	_ =	swait.ge [sflag:s17], $0x1000  }
0x2a: {  	s19 =	smax.u32 s19, $0x1;
	[sflag:s17] =	ssyncset.done $0x0  }
0x2b: {  	p0 =	sne.s32 s19, $0x1;
	[sflag:s17] =	ssyncadd.s32 $0xFFFFF000  }
.Ltmp0:
0x2c: {  	_ =	swait.ge [sflag:s17], $0x800;
	(pc) =	sbr.rel @!p0 .LBB2_2-.Ltmp0, $4  }
0x2d: {  	[sflag:s17] =	ssyncset.done $0x0  }
0x2e: {  	[sflag:s17] =	ssyncadd.s32 $0xFFFFF800  }
0x2f: {  	_ =	swait.ge [sflag:s17], $0x800  }
0x30: {  	s19 =	sadd.s32 $0xFFFFFFFF, s19;
	[sflag:s17] =	ssyncset.done $0x0  }
.LBB2_1:
0x31: {  	p0 =	sne.s32 s19, $0x1;
	s19 =	sadd.s32 $0xFFFFFFFF, s19;
	[sflag:s17] =	ssyncadd.s32 $0xFFFFF800  }
0x32: {  	[tilespmem:s2], [sflag:$0x3] =	stream.linear.gather [hbm4b:s3+s2], $0x40, $0x38;
	[tilespmem:$0x3080] =	vst v63  }
0x33: {  	_ =	swait.ge [sflag:s4], $0x40  }
0x34: {  	[sflag:s4] =	ssyncset.done $0x0  }
0x35: {  	[sflag:s4] =	ssyncadd.s32 $0xFFFFFFC0  }
0x36: {  	[tilespmem:s6], [sflag:$0x3] =	stream.linear.gather [hbm4b:s5+s2], $0x40, $0x38;
	[tilespmem:$0x3080] =	vst v63  }
0x37: {  	_ =	swait.ge [sflag:s4], $0x40  }
0x38: {  	[sflag:s4] =	ssyncset.done $0x0  }
0x39: {  	[sflag:s4] =	ssyncadd.s32 $0xFFFFFFC0  }
0x3a: {  	[tilespmem:s8], [sflag:$0x1] =	stream.indirect.gather [hbm4b:s7+s6], $0x40, s2, s6, $0xb8;
	[tilespmem:$0x3080] =	vst v63  }
0x3b: {  	_ = 	snop  }
0x3c: {  	[tilespmem:s9], [sflag:$0x1] =	stream.indirect.gather [hbm4b:s7+s6], $0x40, s6, s6, $0xb8;
	[tilespmem:$0x3080] =	vst v63  }
0x3d: {  	_ = 	snop  }
0x3e: {  	[tilespmem:s11], [sflag:$0x1] =	stream.indirect.gather [hbm4b:s10+s6], $0x20, s2, s6, $0xb8;
	[tilespmem:$0x3080] =	vst v63  }
0x3f: {  	_ = 	snop  }
0x40: {  	[tilespmem:s12], [sflag:$0x1] =	stream.indirect.gather [hbm4b:s10+s6], $0x20, s6, s6, $0xb8;
	[tilespmem:$0x3080] =	vst v63  }
0x41: {  	_ =	swait.ge [sflag:s13], $0x1000  }
0x42: {  	[sflag:s13] =	ssyncset.done $0x0  }
0x43: {  	[sflag:s13] =	ssyncadd.s32 $0xFFFFF000  }
0x44: {  	[hbm4b:s14+s2] =	stream.linear.scatter [tilespmem:s8], [sflag:$0x2], $0x1000, $0x38;
	[tilespmem:$0x3080] =	vst v63  }
0x45: {  	_ =	swait.ge [sflag:s13], $0x1000  }
0x46: {  	[sflag:s13] =	ssyncset.done $0x0  }
0x47: {  	[sflag:s13] =	ssyncadd.s32 $0xFFFFF000  }
0x48: {  	[hbm4b:s15+s2] =	stream.linear.scatter [tilespmem:s9], [sflag:$0x2], $0x1000, $0x38;
	[tilespmem:$0x3080] =	vst v63  }
0x49: {  	_ =	swait.ge [sflag:s13], $0x800  }
0x4a: {  	[sflag:s13] =	ssyncset.done $0x0  }
0x4b: {  	[sflag:s13] =	ssyncadd.s32 $0xFFFFF800  }
0x4c: {  	[hbm4b:s16+s2] =	stream.linear.scatter [tilespmem:s11], [sflag:$0x2], $0x800, $0x38;
	[tilespmem:$0x3080] =	vst v63  }
0x4d: {  	_ =	swait.ge [sflag:s13], $0x800  }
0x4e: {  	[sflag:s13] =	ssyncset.done $0x0  }
0x4f: {  	[sflag:s13] =	ssyncadd.s32 $0xFFFFF800  }
0x50: {  	[hbm4b:s18+s2] =	stream.linear.scatter [tilespmem:s12], [sflag:$0x2], $0x800, $0x38;
	[tilespmem:$0x3080] =	vst v63  }
0x51: {  	_ =	swait.ge [sflag:s17], $0x1000  }
0x52: {  	[sflag:s17] =	ssyncset.done $0x0  }
0x53: {  	[sflag:s17] =	ssyncadd.s32 $0xFFFFF000  }
0x54: {  	_ =	swait.ge [sflag:s17], $0x1000  }
0x55: {  	[sflag:s17] =	ssyncset.done $0x0  }
0x56: {  	[sflag:s17] =	ssyncadd.s32 $0xFFFFF000  }
.Ltmp1:
0x57: {  	_ =	swait.ge [sflag:s17], $0x800;
	(pc) =	sbr.rel @p0 .LBB2_1-.Ltmp1, $4  }
0x58: {  	[sflag:s17] =	ssyncset.done $0x0  }
0x59: {  	[sflag:s17] =	ssyncadd.s32 $0xFFFFF800  }
0x5a: {  	_ =	swait.ge [sflag:s17], $0x800  }
0x5b: {  	[sflag:s17] =	ssyncset.done $0x0  }
.LBB2_2:
0x5c: {  	[sflag:s17] =	ssyncadd.s32 $0xFFFFF800  }
0x5d: {  	_ =	sfence.sel $0x180000  }
0x5e: {  	[bflag:$0x0] =	sbarrier.arrive $0xFFFF  }
0x5f: {  	p0 =	sne.s32 s0, $0x0;
	_ =	strace $0x90000047  }
0x60: {  	s0 =	sadd.s32 @!p0 $0x100000, s1;
	[bflag:$0x2] =	sbarrier.arrive $0xFFFF  }
0x61: {  	[sflag:s0] =	ssyncadd.tile.s32 @!p0 $0x1;
	_ =	shalt  }
.Lfunc_end2:
_tile_overlayer_lowered:
.L_overlay_start_2:
0x62: {  	(tag) =	ssettag $0x2  }
0x63: {  	s0 =	rddreg [dreg:$0x0];
	s2 =	stileid.u32  }
0x64: {  	s1 =	rddreg [dreg:$0x1];
	p0 =	sne.s32 s2, $0x0  }
0x65: {  	s3 =	rddreg [dreg:$0x2];
	[bflag:$0x3] =	sbarrier.arrive $0xFFFF;
	s2 =	simm.s32 @!p0 $0x1C03  }
0x66: {  	[timem:s3], [sflag:s2] =	dma.local @!p0 [hbm:s0], s1  }
0x67: {  	s0 =	simm.s32 @!p0 $0x3  }
0x68: {  	_ =	swait.ge @!p0 [sflag:s0], s1  }
0x69: {  	s1 =	ssub.s32 @!p0 $0x0, s1;
	[sflag:s0] =	ssyncset.done @!p0 $0x0  }
0x6a: {  	[sflag:s0] =	ssyncadd.s32 @!p0 s1  }
0x6b: {  	[bflag:$0x3] =	sbarrier.arrive $0xFFFF  }
0x6c: {  	_ =	shalt  }

</sc_bundles>
